<compile_context>
chip_gen: v7x
topology: tpu7x:2x2x1
jax: 0.10.2.dev20260603
libtpu: 0.0.44.dev20260713+nightly
codegen_flags: <defaults>
</compile_context>

<pallas_src>
import jax
import jax.numpy as jnp
from jax import lax
from jax.experimental import pallas as pl
from jax.experimental.pallas import tpu as pltpu
from jax.experimental.pallas import tpu_sc as plsc

_N = 10000
_E = 320000
_HID = 128
_NEG = -1000000000.0

_FB = 40000
_DEPTH = 4
_HALF = _N // 2
_TILES = 16
_EPW = _E // (2 * _TILES)
_BPC = (_HALF * _N) // _FB
_GROUPS = _EPW // 16
_RING_EVERY = 8


def _ac_body(wt_ref, h_ref, out_ref):
    out_ref[...] = lax.dot_general(
        wt_ref[...], h_ref[...], (((1,), (1,)), ((), ())),
        preferred_element_type=jnp.float32,
        precision=lax.Precision.HIGHEST)


def _sc_body(ac_hbm, d_hbm, s_hbm, w_hbm, k16_hbm, b16_hbm, out_hbm,
             a_v, c_v, d_v, s_v, w_v,
             idx_v0, idx_v1, idx_v2, idx_v3, idx_v4,
             val_v0, val_v1, val_v2, val_v3, val_v4,
             k_v, b_v, fill_v,
             sem_in, sem_edge, sem_fill, sem_sc, gsem):
    idx_refs = (idx_v0, idx_v1, idx_v2, idx_v3, idx_v4)
    val_refs = (val_v0, val_v1, val_v2, val_v3, val_v4)
    cid = lax.axis_index("c")
    sid = lax.axis_index("s")
    wid = cid * _TILES + sid

    pltpu.async_copy(ac_hbm.at[0], a_v, sem_in)
    pltpu.async_copy(ac_hbm.at[1], c_v, sem_in)
    pltpu.async_copy(k16_hbm, k_v, sem_in)
    pltpu.async_copy(b16_hbm, b_v, sem_in)
    ebase = pl.multiple_of(wid * _EPW, 8)
    pltpu.async_copy(d_hbm.at[pl.ds(ebase, _EPW)], d_v, sem_edge)
    pltpu.async_copy(s_hbm.at[pl.ds(ebase, _EPW)], s_v, sem_edge)
    pltpu.async_copy(w_hbm.at[pl.ds(ebase, _EPW)], w_v, sem_edge)

    neg16 = jnp.full((16,), _NEG, jnp.float32)

    def _memset(i, carry):
        fill_v[pl.ds(pl.multiple_of(i * 16, 16), 16)] = neg16
        return carry
    lax.fori_loop(0, _FB // 16, _memset, 0)

    half_base = cid * (_HALF * _N)
    count = (_BPC // _TILES) + jnp.where(sid < (_BPC % _TILES), 1, 0)

    def _start(i):
        off = pl.multiple_of(half_base + (sid + _TILES * i) * _FB, 8)
        pltpu.async_copy(fill_v, out_hbm.at[pl.ds(off, _FB)], sem_fill)

    def _wait_fill():
        pltpu.make_async_copy(
            fill_v, out_hbm.at[pl.ds(0, _FB)], sem_fill).wait()

    for i in range(_DEPTH):
        _start(i)

    pltpu.make_async_copy(ac_hbm.at[0], a_v, sem_in).wait()
    pltpu.make_async_copy(ac_hbm.at[1], c_v, sem_in).wait()
    pltpu.make_async_copy(k16_hbm, k_v, sem_in).wait()
    pltpu.make_async_copy(b16_hbm, b_v, sem_in).wait()
    pltpu.make_async_copy(d_hbm.at[pl.ds(0, _EPW)], d_v, sem_edge).wait()
    pltpu.make_async_copy(s_hbm.at[pl.ds(0, _EPW)], s_v, sem_edge).wait()
    pltpu.make_async_copy(w_hbm.at[pl.ds(0, _EPW)], w_v, sem_edge).wait()

    wk = k_v[...]
    bb = b_v[...]

    gpc = _GROUPS // 5

    for ck in range(5):
        def _group(g, carry, ck=ck):
            gg = ck * gpc + g

            @pl.when(gg % _RING_EVERY == 0)
            def _service():
                r = gg // _RING_EVERY + _DEPTH

                @pl.when(r < count)
                def _step():
                    _wait_fill()
                    _start(r)

            goff = pl.ds(pl.multiple_of(gg * 16, 16), 16)
            off = pl.ds(pl.multiple_of(g * 16, 16), 16)
            d16 = d_v[goff]
            s16 = s_v[goff]
            w16 = w_v[goff]
            ad = plsc.load_gather(a_v, [d16])
            cs = plsc.load_gather(c_v, [s16])
            idx_refs[ck][off] = d16 * _N + s16
            val_refs[ck][off] = ad + cs + w16 * wk + bb
            return carry
        lax.fori_loop(0, gpc, _group, 0)

    def _tail(i, carry):
        _wait_fill()
        _start(i)
        return carry
    lax.fori_loop(_GROUPS // _RING_EVERY + _DEPTH, count, _tail, 0)
    for _ in range(_DEPTH):
        _wait_fill()

    plsc.subcore_barrier()

    @pl.when(sid == 0)
    def _handshake():
        pltpu.semaphore_signal(gsem, 1, core_index=1 - cid)
        pl.semaphore_wait(gsem, 1)

    plsc.subcore_barrier()

    for ck in range(5):
        pltpu.async_copy(val_refs[ck], out_hbm.at[idx_refs[ck]], sem_sc)
    for ck in range(5):
        pltpu.make_async_copy(
            val_refs[ck], out_hbm.at[idx_refs[ck]], sem_sc).wait()


def kernel(sources, dests, weights, h, W, b):
    W = W.astype(jnp.float32)
    wt2 = W[0, : 2 * _HID].reshape(2, _HID)
    wt8 = jnp.zeros((8, _HID), jnp.float32).at[0:2, :].set(wt2)
    ac8 = pl.pallas_call(
        _ac_body,
        out_shape=jax.ShapeDtypeStruct((8, _N), jnp.float32),
    )(wt8, h.astype(jnp.float32))
    k16 = jnp.full((16,), W[0, 2 * _HID], jnp.float32)
    b16 = jnp.full((16,), b[0].astype(jnp.float32), jnp.float32)
    d32 = dests.astype(jnp.int32)
    s32 = sources.astype(jnp.int32)
    w_flat = weights[:, 0].astype(jnp.float32)

    mesh = plsc.VectorSubcoreMesh(core_axis_name="c", subcore_axis_name="s")
    sc_fn = pl.kernel(
        _sc_body,
        out_type=jax.ShapeDtypeStruct((_N * _N,), jnp.float32),
        mesh=mesh,
        compiler_params=pltpu.CompilerParams(needs_layout_passes=False),
        scratch_types=[
            pltpu.VMEM((_N,), jnp.float32),
            pltpu.VMEM((_N,), jnp.float32),
            pltpu.VMEM((_EPW,), jnp.int32),
            pltpu.VMEM((_EPW,), jnp.int32),
            pltpu.VMEM((_EPW,), jnp.float32),
            pltpu.VMEM((_EPW // 5,), jnp.int32),
            pltpu.VMEM((_EPW // 5,), jnp.int32),
            pltpu.VMEM((_EPW // 5,), jnp.int32),
            pltpu.VMEM((_EPW // 5,), jnp.int32),
            pltpu.VMEM((_EPW // 5,), jnp.int32),
            pltpu.VMEM((_EPW // 5,), jnp.float32),
            pltpu.VMEM((_EPW // 5,), jnp.float32),
            pltpu.VMEM((_EPW // 5,), jnp.float32),
            pltpu.VMEM((_EPW // 5,), jnp.float32),
            pltpu.VMEM((_EPW // 5,), jnp.float32),
            pltpu.VMEM((16,), jnp.float32),
            pltpu.VMEM((16,), jnp.float32),
            pltpu.VMEM((_FB,), jnp.float32),
            pltpu.SemaphoreType.DMA,
            pltpu.SemaphoreType.DMA,
            pltpu.SemaphoreType.DMA,
            pltpu.SemaphoreType.DMA,
            pltpu.SemaphoreType.REGULAR,
        ],
    )
    scores_flat = sc_fn(ac8, d32, s32, w_flat, k16, b16)
    return scores_flat.reshape(_N, _N)

# --- scband reference (transcript-rebuilt; emitter-appended) ---
"""Pipeline reference for scband-predecessor-76081050682084 (READ-ONLY COPY).

The authoritative reference and input builder live on the scoring server;
editing this copy changes nothing except your own understanding.
"""

import jax, jax.numpy as jnp
import numpy as np

N = 10000
E = 320000
HID = 128

def setup_inputs(seed: int = 0) -> dict:
    key = jax.random.key(seed)
    k1, k2, k3, k4, k5, k6 = jax.random.split(key, 6)
    sources = jax.random.randint(k1, (E,), 0, N, dtype=jnp.int64 if jax.config.jax_enable_x64 else jnp.int32)
    dests = jax.random.randint(k2, (E,), 0, N, dtype=jnp.int64 if jax.config.jax_enable_x64 else jnp.int32)
    weights = jax.random.normal(k3, (E, 1), dtype=jnp.float32)
    h = jax.random.normal(k4, (N, HID), dtype=jnp.float32)
    # nn.Linear(2*hidden_dim+1, 1): W [1, 2*HID+1], b [1]
    fan_in = 2 * HID + 1
    bound = 1.0 / np.sqrt(fan_in)
    W = jax.random.uniform(k5, (1, fan_in), dtype=jnp.float32, minval=-bound, maxval=bound)
    b = jax.random.uniform(k6, (1,), dtype=jnp.float32, minval=-bound, maxval=bound)
    return {"sources": sources, "dests": dests, "weights": weights, "h": h, "W": W, "b": b}

def reference(sources, dests, weights, h, W, b):
    n = h.shape[0]
    # edge_input = cat([h[dests], h[sources], weights], dim=1)  -> [E, 2*HID+1]
    edge_input = jnp.concatenate([jnp.take(h, dests, axis=0), jnp.take(h, sources, axis=0), weights], axis=1)
    vals = (edge_input @ W.T + b).squeeze(1)  # [E]
    scores = jnp.full((n, n), -1000000000.0, dtype=h.dtype)
    scores = scores.at[dests, sources].set(vals)
    return scores

if __name__ == "__main__":
    import jax
    _d = setup_inputs()
    print(jax.jit(kernel)(*tuple(_d.values())))

</pallas_src>

<mosaic_0001>
#map = affine_map<(d0, d1) -> (0, 0)>
#map1 = affine_map<(d0, d1) -> (0)>
module attributes {stable_mosaic.version = 14 : i64} {
  func.func @_sc_body(%arg0: i32, %arg1: i32, %arg2: memref<8x10000xf32, #tpu.memory_space<hbm>>, %arg3: memref<320000xi32, #tpu.memory_space<hbm>>, %arg4: memref<320000xi32, #tpu.memory_space<hbm>>, %arg5: memref<320000xf32, #tpu.memory_space<hbm>>, %arg6: memref<16xf32, #tpu.memory_space<hbm>>, %arg7: memref<16xf32, #tpu.memory_space<hbm>>, %arg8: memref<100000000xf32, #tpu.memory_space<hbm>>, %arg9: memref<10000xf32, #tpu.memory_space<vmem>>, %arg10: memref<10000xf32, #tpu.memory_space<vmem>>, %arg11: memref<10000xi32, #tpu.memory_space<vmem>>, %arg12: memref<10000xi32, #tpu.memory_space<vmem>>, %arg13: memref<10000xf32, #tpu.memory_space<vmem>>, %arg14: memref<2000xi32, #tpu.memory_space<vmem>>, %arg15: memref<2000xi32, #tpu.memory_space<vmem>>, %arg16: memref<2000xi32, #tpu.memory_space<vmem>>, %arg17: memref<2000xi32, #tpu.memory_space<vmem>>, %arg18: memref<2000xi32, #tpu.memory_space<vmem>>, %arg19: memref<2000xf32, #tpu.memory_space<vmem>>, %arg20: memref<2000xf32, #tpu.memory_space<vmem>>, %arg21: memref<2000xf32, #tpu.memory_space<vmem>>, %arg22: memref<2000xf32, #tpu.memory_space<vmem>>, %arg23: memref<2000xf32, #tpu.memory_space<vmem>>, %arg24: memref<16xf32, #tpu.memory_space<vmem>>, %arg25: memref<16xf32, #tpu.memory_space<vmem>>, %arg26: memref<40000xf32, #tpu.memory_space<vmem>>, %arg27: memref<!tpu.dma_semaphore, #tpu.memory_space<semaphore_mem>>, %arg28: memref<!tpu.dma_semaphore, #tpu.memory_space<semaphore_mem>>, %arg29: memref<!tpu.dma_semaphore, #tpu.memory_space<semaphore_mem>>, %arg30: memref<!tpu.dma_semaphore, #tpu.memory_space<semaphore_mem>>, %arg31: memref<!tpu.semaphore, #tpu.memory_space<semaphore_mem>>) attributes {dimension_semantics = [#tpu.dimension_semantics<core_parallel>, #tpu.dimension_semantics<subcore_parallel>], iteration_bounds = array<i64: 2, 16>, scalar_prefetch = 0 : i64, scratch_operands = 23 : i64, tpu.core_type = #tpu.core_type<sc_vector_subcore>, window_params = [{transform_indices = #map}, {transform_indices = #map1}, {transform_indices = #map1}, {transform_indices = #map1}, {transform_indices = #map1}, {transform_indices = #map1}, {transform_indices = #map1}]} {
    %mul3A = arith.constant 16 : i32
    %mul3A_0 = arith.muli %arg0, %mul3A : i32
    %add3A = arith.addi %mul3A_0, %arg1 : i32
    %dma_start3A = arith.constant 0 : i32
    %dma_start3A_1 = arith.constant 0 : i32
    %dma_start3A_2 = tpu.memref_slice %arg2[%dma_start3A, %dma_start3A_1] : memref<8x10000xf32, #tpu.memory_space<hbm>> -> memref<1x10000xf32, #tpu.memory_space<hbm>>
    %dma_start3A_3 = tpu.memref_squeeze %dma_start3A_2 : memref<1x10000xf32, #tpu.memory_space<hbm>> -> memref<10000xf32, #tpu.memory_space<hbm>>
    %dma_start3A_4 = arith.constant 0 : i32
    %dma_start3A_5 = tpu.memref_slice %arg2[%dma_start3A, %dma_start3A_4] : memref<8x10000xf32, #tpu.memory_space<hbm>> -> memref<1x10000xf32, #tpu.memory_space<hbm>>
    %dma_start3A_6 = tpu.memref_squeeze %dma_start3A_5 : memref<1x10000xf32, #tpu.memory_space<hbm>> -> memref<10000xf32, #tpu.memory_space<hbm>>
    tpu.enqueue_dma source(%dma_start3A_6 : memref<10000xf32, #tpu.memory_space<hbm>>) target(%arg9 : memref<10000xf32, #tpu.memory_space<vmem>>) target_semaphore(%arg27 : memref<!tpu.dma_semaphore, #tpu.memory_space<semaphore_mem>>)
    %dma_start3A_7 = arith.constant 1 : i32
    %dma_start3A_8 = arith.constant 0 : i32
    %dma_start3A_9 = tpu.memref_slice %arg2[%dma_start3A_7, %dma_start3A_8] : memref<8x10000xf32, #tpu.memory_space<hbm>> -> memref<1x10000xf32, #tpu.memory_space<hbm>>
    %dma_start3A_10 = tpu.memref_squeeze %dma_start3A_9 : memref<1x10000xf32, #tpu.memory_space<hbm>> -> memref<10000xf32, #tpu.memory_space<hbm>>
    %dma_start3A_11 = arith.constant 0 : i32
    %dma_start3A_12 = tpu.memref_slice %arg2[%dma_start3A_7, %dma_start3A_11] : memref<8x10000xf32, #tpu.memory_space<hbm>> -> memref<1x10000xf32, #tpu.memory_space<hbm>>
    %dma_start3A_13 = tpu.memref_squeeze %dma_start3A_12 : memref<1x10000xf32, #tpu.memory_space<hbm>> -> memref<10000xf32, #tpu.memory_space<hbm>>
    tpu.enqueue_dma source(%dma_start3A_13 : memref<10000xf32, #tpu.memory_space<hbm>>) target(%arg10 : memref<10000xf32, #tpu.memory_space<vmem>>) target_semaphore(%arg27 : memref<!tpu.dma_semaphore, #tpu.memory_space<semaphore_mem>>)
    tpu.enqueue_dma source(%arg6 : memref<16xf32, #tpu.memory_space<hbm>>) target(%arg24 : memref<16xf32, #tpu.memory_space<vmem>>) target_semaphore(%arg27 : memref<!tpu.dma_semaphore, #tpu.memory_space<semaphore_mem>>)
    tpu.enqueue_dma source(%arg7 : memref<16xf32, #tpu.memory_space<hbm>>) target(%arg25 : memref<16xf32, #tpu.memory_space<vmem>>) target_semaphore(%arg27 : memref<!tpu.dma_semaphore, #tpu.memory_space<semaphore_mem>>)
    %mul3A_14 = arith.constant 10000 : i32
    %mul3A_15 = arith.muli %add3A, %mul3A_14 : i32
    %multiple_of3A = tpu.assume_multiple %mul3A_15, 8 : i32
    %dma_start3A_16 = tpu.memref_slice %arg3[%multiple_of3A] : memref<320000xi32, #tpu.memory_space<hbm>> -> memref<10000xi32, #tpu.memory_space<hbm>>
    %dma_start3A_17 = tpu.memref_slice %arg3[%multiple_of3A] : memref<320000xi32, #tpu.memory_space<hbm>> -> memref<10000xi32, #tpu.memory_space<hbm>>
    tpu.enqueue_dma source(%dma_start3A_17 : memref<10000xi32, #tpu.memory_space<hbm>>) target(%arg11 : memref<10000xi32, #tpu.memory_space<vmem>>) target_semaphore(%arg28 : memref<!tpu.dma_semaphore, #tpu.memory_space<semaphore_mem>>)
    %dma_start3A_18 = tpu.memref_slice %arg4[%multiple_of3A] : memref<320000xi32, #tpu.memory_space<hbm>> -> memref<10000xi32, #tpu.memory_space<hbm>>
    %dma_start3A_19 = tpu.memref_slice %arg4[%multiple_of3A] : memref<320000xi32, #tpu.memory_space<hbm>> -> memref<10000xi32, #tpu.memory_space<hbm>>
    tpu.enqueue_dma source(%dma_start3A_19 : memref<10000xi32, #tpu.memory_space<hbm>>) target(%arg12 : memref<10000xi32, #tpu.memory_space<vmem>>) target_semaphore(%arg28 : memref<!tpu.dma_semaphore, #tpu.memory_space<semaphore_mem>>)
    %dma_start3A_20 = tpu.memref_slice %arg5[%multiple_of3A] : memref<320000xf32, #tpu.memory_space<hbm>> -> memref<10000xf32, #tpu.memory_space<hbm>>
    %dma_start3A_21 = tpu.memref_slice %arg5[%multiple_of3A] : memref<320000xf32, #tpu.memory_space<hbm>> -> memref<10000xf32, #tpu.memory_space<hbm>>
    tpu.enqueue_dma source(%dma_start3A_21 : memref<10000xf32, #tpu.memory_space<hbm>>) target(%arg13 : memref<10000xf32, #tpu.memory_space<vmem>>) target_semaphore(%arg28 : memref<!tpu.dma_semaphore, #tpu.memory_space<semaphore_mem>>)
    %broadcast_in_dim3A = arith.constant -1.000000e+09 : f32
    %broadcast_in_dim3A_22 = vector.broadcast %broadcast_in_dim3A : f32 to vector<16xf32>
    %scan3A = arith.constant 0 : i32
    %scan3A_23 = arith.constant 0 : i32
    %scan3A_24 = arith.constant 2500 : i32
    %scan3A_25 = arith.addi %scan3A_23, %scan3A_24 : i32
    %scan3A_26 = arith.constant 1 : i32
    scf.for %scan3A_172 = %scan3A_23 to %scan3A_25 step %scan3A_26  : i32 {
      %mul3A_173 = arith.constant 16 : i32
      %mul3A_174 = arith.muli %scan3A_172, %mul3A_173 : i32
      %multiple_of3A_175 = tpu.assume_multiple %mul3A_174, 16 : i32
      %swap3A = arith.index_cast %multiple_of3A_175 : i32 to index
      %swap3A_176 = tpu.vector_load %arg26[%swap3A] {strides = array<i32>} : memref<40000xf32, #tpu.memory_space<vmem>>, vector<16xf32>,
      tpu.vector_store %arg26[%swap3A], %broadcast_in_dim3A_22 {strides = array<i32>} : memref<40000xf32, #tpu.memory_space<vmem>>, vector<16xf32>,
    }
    %scan3A_27 = arith.constant 2500 : i32
    %mul3A_28 = arith.constant 50000000 : i32
    %mul3A_29 = arith.muli %arg0, %mul3A_28 : i32
    %lt3A = arith.constant 2 : i32
    %lt3A_30 = arith.cmpi slt, %arg1, %lt3A : i32
    %jit3A = arith.constant 1 : i32
    %jit3A_31 = arith.constant 0 : i32
    %select_n3A = arith.select %lt3A_30, %jit3A, %jit3A_31 : i32
    %add3A_32 = arith.constant 78 : i32
    %add3A_33 = arith.addi %add3A_32, %select_n3A : i32
    %add3A_34 = arith.constant 0 : i32
    %add3A_35 = arith.addi %arg1, %add3A_34 : i32
    %mul3A_36 = arith.constant 40000 : i32
    %mul3A_37 = arith.muli %add3A_35, %mul3A_36 : i32
    %add3A_38 = arith.addi %mul3A_29, %mul3A_37 : i32
    %multiple_of3A_39 = tpu.assume_multiple %add3A_38, 8 : i32
    %dma_start3A_40 = tpu.memref_slice %arg8[%multiple_of3A_39] : memref<100000000xf32, #tpu.memory_space<hbm>> -> memref<40000xf32, #tpu.memory_space<hbm>>
    %dma_start3A_41 = tpu.memref_slice %arg8[%multiple_of3A_39] : memref<100000000xf32, #tpu.memory_space<hbm>> -> memref<40000xf32, #tpu.memory_space<hbm>>
    tpu.enqueue_dma source(%arg26 : memref<40000xf32, #tpu.memory_space<vmem>>) target(%dma_start3A_41 : memref<40000xf32, #tpu.memory_space<hbm>>) target_semaphore(%arg29 : memref<!tpu.dma_semaphore, #tpu.memory_space<semaphore_mem>>)
    %add3A_42 = arith.constant 16 : i32
    %add3A_43 = arith.addi %arg1, %add3A_42 : i32
    %mul3A_44 = arith.constant 40000 : i32
    %mul3A_45 = arith.muli %add3A_43, %mul3A_44 : i32
    %add3A_46 = arith.addi %mul3A_29, %mul3A_45 : i32
    %multiple_of3A_47 = tpu.assume_multiple %add3A_46, 8 : i32
    %dma_start3A_48 = tpu.memref_slice %arg8[%multiple_of3A_47] : memref<100000000xf32, #tpu.memory_space<hbm>> -> memref<40000xf32, #tpu.memory_space<hbm>>
    %dma_start3A_49 = tpu.memref_slice %arg8[%multiple_of3A_47] : memref<100000000xf32, #tpu.memory_space<hbm>> -> memref<40000xf32, #tpu.memory_space<hbm>>
    tpu.enqueue_dma source(%arg26 : memref<40000xf32, #tpu.memory_space<vmem>>) target(%dma_start3A_49 : memref<40000xf32, #tpu.memory_space<hbm>>) target_semaphore(%arg29 : memref<!tpu.dma_semaphore, #tpu.memory_space<semaphore_mem>>)
    %add3A_50 = arith.constant 32 : i32
    %add3A_51 = arith.addi %arg1, %add3A_50 : i32
    %mul3A_52 = arith.constant 40000 : i32
    %mul3A_53 = arith.muli %add3A_51, %mul3A_52 : i32
    %add3A_54 = arith.addi %mul3A_29, %mul3A_53 : i32
    %multiple_of3A_55 = tpu.assume_multiple %add3A_54, 8 : i32
    %dma_start3A_56 = tpu.memref_slice %arg8[%multiple_of3A_55] : memref<100000000xf32, #tpu.memory_space<hbm>> -> memref<40000xf32, #tpu.memory_space<hbm>>
    %dma_start3A_57 = tpu.memref_slice %arg8[%multiple_of3A_55] : memref<100000000xf32, #tpu.memory_space<hbm>> -> memref<40000xf32, #tpu.memory_space<hbm>>
    tpu.enqueue_dma source(%arg26 : memref<40000xf32, #tpu.memory_space<vmem>>) target(%dma_start3A_57 : memref<40000xf32, #tpu.memory_space<hbm>>) target_semaphore(%arg29 : memref<!tpu.dma_semaphore, #tpu.memory_space<semaphore_mem>>)
    %add3A_58 = arith.constant 48 : i32
    %add3A_59 = arith.addi %arg1, %add3A_58 : i32
    %mul3A_60 = arith.constant 40000 : i32
    %mul3A_61 = arith.muli %add3A_59, %mul3A_60 : i32
    %add3A_62 = arith.addi %mul3A_29, %mul3A_61 : i32
    %multiple_of3A_63 = tpu.assume_multiple %add3A_62, 8 : i32
    %dma_start3A_64 = tpu.memref_slice %arg8[%multiple_of3A_63] : memref<100000000xf32, #tpu.memory_space<hbm>> -> memref<40000xf32, #tpu.memory_space<hbm>>
    %dma_start3A_65 = tpu.memref_slice %arg8[%multiple_of3A_63] : memref<100000000xf32, #tpu.memory_space<hbm>> -> memref<40000xf32, #tpu.memory_space<hbm>>
    tpu.enqueue_dma source(%arg26 : memref<40000xf32, #tpu.memory_space<vmem>>) target(%dma_start3A_65 : memref<40000xf32, #tpu.memory_space<hbm>>) target_semaphore(%arg29 : memref<!tpu.dma_semaphore, #tpu.memory_space<semaphore_mem>>)
    %dma_wait3A = arith.constant 0 : i32
    %dma_wait3A_66 = arith.constant 0 : i32
    %dma_wait3A_67 = tpu.memref_slice %arg2[%dma_wait3A, %dma_wait3A_66] : memref<8x10000xf32, #tpu.memory_space<hbm>> -> memref<1x10000xf32, #tpu.memory_space<hbm>>
    %dma_wait3A_68 = tpu.memref_squeeze %dma_wait3A_67 : memref<1x10000xf32, #tpu.memory_space<hbm>> -> memref<10000xf32, #tpu.memory_space<hbm>>
    %dma_wait3A_69 = arith.constant 0 : i32
    %dma_wait3A_70 = tpu.memref_slice %arg2[%dma_wait3A, %dma_wait3A_69] : memref<8x10000xf32, #tpu.memory_space<hbm>> -> memref<1x10000xf32, #tpu.memory_space<hbm>>
    %dma_wait3A_71 = tpu.memref_squeeze %dma_wait3A_70 : memref<1x10000xf32, #tpu.memory_space<hbm>> -> memref<10000xf32, #tpu.memory_space<hbm>>
    tpu.wait_dma2 semaphore(%arg27 : memref<!tpu.dma_semaphore, #tpu.memory_space<semaphore_mem>>) src(%dma_wait3A_71 : memref<10000xf32, #tpu.memory_space<hbm>>) dst(%arg9 : memref<10000xf32, #tpu.memory_space<vmem>>)
    %dma_wait3A_72 = arith.constant 1 : i32
    %dma_wait3A_73 = arith.constant 0 : i32
    %dma_wait3A_74 = tpu.memref_slice %arg2[%dma_wait3A_72, %dma_wait3A_73] : memref<8x10000xf32, #tpu.memory_space<hbm>> -> memref<1x10000xf32, #tpu.memory_space<hbm>>
    %dma_wait3A_75 = tpu.memref_squeeze %dma_wait3A_74 : memref<1x10000xf32, #tpu.memory_space<hbm>> -> memref<10000xf32, #tpu.memory_space<hbm>>
    %dma_wait3A_76 = arith.constant 0 : i32
    %dma_wait3A_77 = tpu.memref_slice %arg2[%dma_wait3A_72, %dma_wait3A_76] : memref<8x10000xf32, #tpu.memory_space<hbm>> -> memref<1x10000xf32, #tpu.memory_space<hbm>>
    %dma_wait3A_78 = tpu.memref_squeeze %dma_wait3A_77 : memref<1x10000xf32, #tpu.memory_space<hbm>> -> memref<10000xf32, #tpu.memory_space<hbm>>
    tpu.wait_dma2 semaphore(%arg27 : memref<!tpu.dma_semaphore, #tpu.memory_space<semaphore_mem>>) src(%dma_wait3A_78 : memref<10000xf32, #tpu.memory_space<hbm>>) dst(%arg10 : memref<10000xf32, #tpu.memory_space<vmem>>)
    tpu.wait_dma2 semaphore(%arg27 : memref<!tpu.dma_semaphore, #tpu.memory_space<semaphore_mem>>) src(%arg6 : memref<16xf32, #tpu.memory_space<hbm>>) dst(%arg24 : memref<16xf32, #tpu.memory_space<vmem>>)
    tpu.wait_dma2 semaphore(%arg27 : memref<!tpu.dma_semaphore, #tpu.memory_space<semaphore_mem>>) src(%arg7 : memref<16xf32, #tpu.memory_space<hbm>>) dst(%arg25 : memref<16xf32, #tpu.memory_space<vmem>>)
    %dma_wait3A_79 = arith.constant 0 : i32
    %dma_wait3A_80 = tpu.memref_slice %arg3[%dma_wait3A_79] : memref<320000xi32, #tpu.memory_space<hbm>> -> memref<10000xi32, #tpu.memory_space<hbm>>
    %dma_wait3A_81 = arith.constant 0 : i32
    %dma_wait3A_82 = tpu.memref_slice %arg3[%dma_wait3A_81] : memref<320000xi32, #tpu.memory_space<hbm>> -> memref<10000xi32, #tpu.memory_space<hbm>>
    tpu.wait_dma2 semaphore(%arg28 : memref<!tpu.dma_semaphore, #tpu.memory_space<semaphore_mem>>) src(%dma_wait3A_82 : memref<10000xi32, #tpu.memory_space<hbm>>) dst(%arg11 : memref<10000xi32, #tpu.memory_space<vmem>>)
    %dma_wait3A_83 = arith.constant 0 : i32
    %dma_wait3A_84 = tpu.memref_slice %arg4[%dma_wait3A_83] : memref<320000xi32, #tpu.memory_space<hbm>> -> memref<10000xi32, #tpu.memory_space<hbm>>
    %dma_wait3A_85 = arith.constant 0 : i32
    %dma_wait3A_86 = tpu.memref_slice %arg4[%dma_wait3A_85] : memref<320000xi32, #tpu.memory_space<hbm>> -> memref<10000xi32, #tpu.memory_space<hbm>>
    tpu.wait_dma2 semaphore(%arg28 : memref<!tpu.dma_semaphore, #tpu.memory_space<semaphore_mem>>) src(%dma_wait3A_86 : memref<10000xi32, #tpu.memory_space<hbm>>) dst(%arg12 : memref<10000xi32, #tpu.memory_space<vmem>>)
    %dma_wait3A_87 = arith.constant 0 : i32
    %dma_wait3A_88 = tpu.memref_slice %arg5[%dma_wait3A_87] : memref<320000xf32, #tpu.memory_space<hbm>> -> memref<10000xf32, #tpu.memory_space<hbm>>
    %dma_wait3A_89 = arith.constant 0 : i32
    %dma_wait3A_90 = tpu.memref_slice %arg5[%dma_wait3A_89] : memref<320000xf32, #tpu.memory_space<hbm>> -> memref<10000xf32, #tpu.memory_space<hbm>>
    tpu.wait_dma2 semaphore(%arg28 : memref<!tpu.dma_semaphore, #tpu.memory_space<semaphore_mem>>) src(%dma_wait3A_90 : memref<10000xf32, #tpu.memory_space<hbm>>) dst(%arg13 : memref<10000xf32, #tpu.memory_space<vmem>>)
    %get3A = arith.constant 0 : index
    %get3A_91 = tpu.vector_load %arg24[%get3A] {strides = array<i32>} : memref<16xf32, #tpu.memory_space<vmem>>, vector<16xf32>,
    %get3A_92 = arith.constant 0 : index
    %get3A_93 = tpu.vector_load %arg25[%get3A_92] {strides = array<i32>} : memref<16xf32, #tpu.memory_space<vmem>>, vector<16xf32>,
    %scan3A_94 = arith.constant 0 : i32
    %scan3A_95 = arith.constant 0 : i32
    %scan3A_96 = arith.constant 125 : i32
    %scan3A_97 = arith.addi %scan3A_95, %scan3A_96 : i32
    %scan3A_98 = arith.constant 1 : i32
    scf.for %scan3A_172 = %scan3A_95 to %scan3A_97 step %scan3A_98  : i32 {
      %add3A_173 = arith.constant 0 : i32
      %add3A_174 = arith.addi %add3A_173, %scan3A_172 : i32
      %jit3A_175 = arith.constant 8 : i32
      %eq3A_176 = arith.constant 0 : i32
      %eq3A_177 = arith.cmpi eq, %jit3A_175, %eq3A_176 : i32
      %jit3A_178 = arith.constant 1 : i32
      %select_n3A_179 = arith.select %eq3A_177, %jit3A_178, %jit3A_175 : i32
      %rem3A = arith.remsi %add3A_174, %select_n3A_179 : i32
      %ne3A = arith.constant 0 : i32
      %ne3A_180 = arith.cmpi ne, %rem3A, %ne3A : i32
      %lt3A_181 = arith.constant 0 : i32
      %lt3A_182 = arith.cmpi slt, %rem3A, %lt3A_181 : i32
      %lt3A_183 = arith.constant 0 : i32
      %lt3A_184 = arith.cmpi slt, %select_n3A_179, %lt3A_183 : i32
      %ne3A_185 = arith.xori %lt3A_182, %lt3A_184 : i1
      %and3A = arith.andi %ne3A_185, %ne3A_180 : i1
      %add3A_186 = arith.addi %rem3A, %select_n3A_179 : i32
      %select_n3A_187 = arith.select %and3A, %add3A_186, %rem3A : i32
      %eq3A_188 = arith.constant 0 : i32
      %eq3A_189 = arith.cmpi eq, %select_n3A_187, %eq3A_188 : i32
      %convert_element_type3A_190 = arith.extui %eq3A_189 : i1 to i32
      %cond3A_191 = arith.constant 0 : i32
      %cond3A_192 = arith.cmpi ne, %convert_element_type3A_190, %cond3A_191 : i32
      scf.if %cond3A_192 {
        %jit3A_217 = arith.constant 8 : i32
        %div3A = arith.divsi %add3A_174, %jit3A_217 : i32
        %sign3A = arith.constant 0 : i32
        %sign3A_218 = arith.cmpi sgt, %add3A_174, %sign3A : i32
        %sign3A_219 = arith.extui %sign3A_218 : i1 to i32
        %sign3A_220 = arith.constant 0 : i32
        %sign3A_221 = arith.cmpi slt, %add3A_174, %sign3A_220 : i32
        %sign3A_222 = arith.extui %sign3A_221 : i1 to i32
        %sign3A_223 = arith.subi %sign3A_219, %sign3A_222 : i32
        %sign3A_224 = arith.constant 0 : i32
        %sign3A_225 = arith.cmpi sgt, %jit3A_217, %sign3A_224 : i32
        %sign3A_226 = arith.extui %sign3A_225 : i1 to i32
        %sign3A_227 = arith.constant 0 : i32
        %sign3A_228 = arith.cmpi slt, %jit3A_217, %sign3A_227 : i32
        %sign3A_229 = arith.extui %sign3A_228 : i1 to i32
        %sign3A_230 = arith.subi %sign3A_226, %sign3A_229 : i32
        %ne3A_231 = arith.cmpi ne, %sign3A_223, %sign3A_230 : i32
        %rem3A_232 = arith.remsi %add3A_174, %jit3A_217 : i32
        %ne3A_233 = arith.constant 0 : i32
        %ne3A_234 = arith.cmpi ne, %rem3A_232, %ne3A_233 : i32
        %and3A_235 = arith.andi %ne3A_231, %ne3A_234 : i1
        %sub3A = arith.constant 1 : i32
        %sub3A_236 = arith.subi %div3A, %sub3A : i32
        %select_n3A_237 = arith.select %and3A_235, %sub3A_236, %div3A : i32
        %add3A_238 = arith.constant 4 : i32
        %add3A_239 = arith.addi %select_n3A_237, %add3A_238 : i32
        %lt3A_240 = arith.cmpi slt, %add3A_239, %add3A_33 : i32
        %convert_element_type3A_241 = arith.extui %lt3A_240 : i1 to i32
        %cond3A_242 = arith.constant 0 : i32
        %cond3A_243 = arith.cmpi ne, %convert_element_type3A_241, %cond3A_242 : i32
        scf.if %cond3A_243 {
          %dma_wait3A_244 = arith.constant 0 : i32
          %dma_wait3A_245 = tpu.memref_slice %arg8[%dma_wait3A_244] : memref<100000000xf32, #tpu.memory_space<hbm>> -> memref<40000xf32, #tpu.memory_space<hbm>>
          %dma_wait3A_246 = arith.constant 0 : i32
          %dma_wait3A_247 = tpu.memref_slice %arg8[%dma_wait3A_246] : memref<100000000xf32, #tpu.memory_space<hbm>> -> memref<40000xf32, #tpu.memory_space<hbm>>
          tpu.wait_dma2 semaphore(%arg29 : memref<!tpu.dma_semaphore, #tpu.memory_space<semaphore_mem>>) src(%arg26 : memref<40000xf32, #tpu.memory_space<vmem>>) dst(%dma_wait3A_247 : memref<40000xf32, #tpu.memory_space<hbm>>)
          %mul3A_248 = arith.constant 16 : i32
          %mul3A_249 = arith.muli %mul3A_248, %add3A_239 : i32
          %add3A_250 = arith.addi %arg1, %mul3A_249 : i32
          %mul3A_251 = arith.constant 40000 : i32
          %mul3A_252 = arith.muli %add3A_250, %mul3A_251 : i32
          %add3A_253 = arith.addi %mul3A_29, %mul3A_252 : i32
          %multiple_of3A_254 = tpu.assume_multiple %add3A_253, 8 : i32
          %dma_start3A_255 = tpu.memref_slice %arg8[%multiple_of3A_254] : memref<100000000xf32, #tpu.memory_space<hbm>> -> memref<40000xf32, #tpu.memory_space<hbm>>
          %dma_start3A_256 = tpu.memref_slice %arg8[%multiple_of3A_254] : memref<100000000xf32, #tpu.memory_space<hbm>> -> memref<40000xf32, #tpu.memory_space<hbm>>
          tpu.enqueue_dma source(%arg26 : memref<40000xf32, #tpu.memory_space<vmem>>) target(%dma_start3A_256 : memref<40000xf32, #tpu.memory_space<hbm>>) target_semaphore(%arg29 : memref<!tpu.dma_semaphore, #tpu.memory_space<semaphore_mem>>)
        } else {
        }
      } else {
      }
      %mul3A_193 = arith.constant 16 : i32
      %mul3A_194 = arith.muli %add3A_174, %mul3A_193 : i32
      %multiple_of3A_195 = tpu.assume_multiple %mul3A_194, 16 : i32
      %mul3A_196 = arith.constant 16 : i32
      %mul3A_197 = arith.muli %scan3A_172, %mul3A_196 : i32
      %multiple_of3A_198 = tpu.assume_multiple %mul3A_197, 16 : i32
      %get3A_199 = arith.index_cast %multiple_of3A_195 : i32 to index
      %get3A_200 = tpu.vector_load %arg11[%get3A_199] {strides = array<i32>} : memref<10000xi32, #tpu.memory_space<vmem>>, vector<16xi32>,
      %get3A_201 = arith.index_cast %multiple_of3A_195 : i32 to index
      %get3A_202 = tpu.vector_load %arg12[%get3A_201] {strides = array<i32>} : memref<10000xi32, #tpu.memory_space<vmem>>, vector<16xi32>,
      %get3A_203 = arith.index_cast %multiple_of3A_195 : i32 to index
      %get3A_204 = tpu.vector_load %arg13[%get3A_203] {strides = array<i32>} : memref<10000xf32, #tpu.memory_space<vmem>>, vector<16xf32>,
      %gather3A = tpu.vector_load_idx %arg9[%get3A_200] : memref<10000xf32, #tpu.memory_space<vmem>>[vector<16xi32>], vector<16xf32>,
      %gather3A_205 = tpu.vector_load_idx %arg10[%get3A_202] : memref<10000xf32, #tpu.memory_space<vmem>>[vector<16xi32>], vector<16xf32>,
      %mul3A_206 = arith.constant 10000 : i32
      %mul3A_207 = vector.broadcast %mul3A_206 : i32 to vector<16xi32>
      %mul3A_208 = arith.muli %get3A_200, %mul3A_207 : vector<16xi32>
      %add3A_209 = arith.addi %mul3A_208, %get3A_202 : vector<16xi32>
      %swap3A = arith.index_cast %multiple_of3A_198 : i32 to index
      %swap3A_210 = tpu.vector_load %arg14[%swap3A] {strides = array<i32>} : memref<2000xi32, #tpu.memory_space<vmem>>, vector<16xi32>,
      tpu.vector_store %arg14[%swap3A], %add3A_209 {strides = array<i32>} : memref<2000xi32, #tpu.memory_space<vmem>>, vector<16xi32>,
      %add3A_211 = arith.addf %gather3A, %gather3A_205 : vector<16xf32>
      %mul3A_212 = arith.mulf %get3A_204, %get3A_91 : vector<16xf32>
      %add3A_213 = arith.addf %add3A_211, %mul3A_212 : vector<16xf32>
      %add3A_214 = arith.addf %add3A_213, %get3A_93 : vector<16xf32>
      %swap3A_215 = arith.index_cast %multiple_of3A_198 : i32 to index
      %swap3A_216 = tpu.vector_load %arg19[%swap3A_215] {strides = array<i32>} : memref<2000xf32, #tpu.memory_space<vmem>>, vector<16xf32>,
      tpu.vector_store %arg19[%swap3A_215], %add3A_214 {strides = array<i32>} : memref<2000xf32, #tpu.memory_space<vmem>>, vector<16xf32>,
    }
    %scan3A_99 = arith.constant 125 : i32
    %scan3A_100 = arith.constant 0 : i32
    %scan3A_101 = arith.constant 0 : i32
    %scan3A_102 = arith.constant 125 : i32
    %scan3A_103 = arith.addi %scan3A_101, %scan3A_102 : i32
    %scan3A_104 = arith.constant 1 : i32
    scf.for %scan3A_172 = %scan3A_101 to %scan3A_103 step %scan3A_104  : i32 {
      %add3A_173 = arith.constant 125 : i32
      %add3A_174 = arith.addi %add3A_173, %scan3A_172 : i32
      %jit3A_175 = arith.constant 8 : i32
      %eq3A_176 = arith.constant 0 : i32
      %eq3A_177 = arith.cmpi eq, %jit3A_175, %eq3A_176 : i32
      %jit3A_178 = arith.constant 1 : i32
      %select_n3A_179 = arith.select %eq3A_177, %jit3A_178, %jit3A_175 : i32
      %rem3A = arith.remsi %add3A_174, %select_n3A_179 : i32
      %ne3A = arith.constant 0 : i32
      %ne3A_180 = arith.cmpi ne, %rem3A, %ne3A : i32
      %lt3A_181 = arith.constant 0 : i32
      %lt3A_182 = arith.cmpi slt, %rem3A, %lt3A_181 : i32
      %lt3A_183 = arith.constant 0 : i32
      %lt3A_184 = arith.cmpi slt, %select_n3A_179, %lt3A_183 : i32
      %ne3A_185 = arith.xori %lt3A_182, %lt3A_184 : i1
      %and3A = arith.andi %ne3A_185, %ne3A_180 : i1
      %add3A_186 = arith.addi %rem3A, %select_n3A_179 : i32
      %select_n3A_187 = arith.select %and3A, %add3A_186, %rem3A : i32
      %eq3A_188 = arith.constant 0 : i32
      %eq3A_189 = arith.cmpi eq, %select_n3A_187, %eq3A_188 : i32
      %convert_element_type3A_190 = arith.extui %eq3A_189 : i1 to i32
      %cond3A_191 = arith.constant 0 : i32
      %cond3A_192 = arith.cmpi ne, %convert_element_type3A_190, %cond3A_191 : i32
      scf.if %cond3A_192 {
        %jit3A_217 = arith.constant 8 : i32
        %div3A = arith.divsi %add3A_174, %jit3A_217 : i32
        %sign3A = arith.constant 0 : i32
        %sign3A_218 = arith.cmpi sgt, %add3A_174, %sign3A : i32
        %sign3A_219 = arith.extui %sign3A_218 : i1 to i32
        %sign3A_220 = arith.constant 0 : i32
        %sign3A_221 = arith.cmpi slt, %add3A_174, %sign3A_220 : i32
        %sign3A_222 = arith.extui %sign3A_221 : i1 to i32
        %sign3A_223 = arith.subi %sign3A_219, %sign3A_222 : i32
        %sign3A_224 = arith.constant 0 : i32
        %sign3A_225 = arith.cmpi sgt, %jit3A_217, %sign3A_224 : i32
        %sign3A_226 = arith.extui %sign3A_225 : i1 to i32
        %sign3A_227 = arith.constant 0 : i32
        %sign3A_228 = arith.cmpi slt, %jit3A_217, %sign3A_227 : i32
        %sign3A_229 = arith.extui %sign3A_228 : i1 to i32
        %sign3A_230 = arith.subi %sign3A_226, %sign3A_229 : i32
        %ne3A_231 = arith.cmpi ne, %sign3A_223, %sign3A_230 : i32
        %rem3A_232 = arith.remsi %add3A_174, %jit3A_217 : i32
        %ne3A_233 = arith.constant 0 : i32
        %ne3A_234 = arith.cmpi ne, %rem3A_232, %ne3A_233 : i32
        %and3A_235 = arith.andi %ne3A_231, %ne3A_234 : i1
        %sub3A = arith.constant 1 : i32
        %sub3A_236 = arith.subi %div3A, %sub3A : i32
        %select_n3A_237 = arith.select %and3A_235, %sub3A_236, %div3A : i32
        %add3A_238 = arith.constant 4 : i32
        %add3A_239 = arith.addi %select_n3A_237, %add3A_238 : i32
        %lt3A_240 = arith.cmpi slt, %add3A_239, %add3A_33 : i32
        %convert_element_type3A_241 = arith.extui %lt3A_240 : i1 to i32
        %cond3A_242 = arith.constant 0 : i32
        %cond3A_243 = arith.cmpi ne, %convert_element_type3A_241, %cond3A_242 : i32
        scf.if %cond3A_243 {
          %dma_wait3A_244 = arith.constant 0 : i32
          %dma_wait3A_245 = tpu.memref_slice %arg8[%dma_wait3A_244] : memref<100000000xf32, #tpu.memory_space<hbm>> -> memref<40000xf32, #tpu.memory_space<hbm>>
          %dma_wait3A_246 = arith.constant 0 : i32
          %dma_wait3A_247 = tpu.memref_slice %arg8[%dma_wait3A_246] : memref<100000000xf32, #tpu.memory_space<hbm>> -> memref<40000xf32, #tpu.memory_space<hbm>>
          tpu.wait_dma2 semaphore(%arg29 : memref<!tpu.dma_semaphore, #tpu.memory_space<semaphore_mem>>) src(%arg26 : memref<40000xf32, #tpu.memory_space<vmem>>) dst(%dma_wait3A_247 : memref<40000xf32, #tpu.memory_space<hbm>>)
          %mul3A_248 = arith.constant 16 : i32
          %mul3A_249 = arith.muli %mul3A_248, %add3A_239 : i32
          %add3A_250 = arith.addi %arg1, %mul3A_249 : i32
          %mul3A_251 = arith.constant 40000 : i32
          %mul3A_252 = arith.muli %add3A_250, %mul3A_251 : i32
          %add3A_253 = arith.addi %mul3A_29, %mul3A_252 : i32
          %multiple_of3A_254 = tpu.assume_multiple %add3A_253, 8 : i32
          %dma_start3A_255 = tpu.memref_slice %arg8[%multiple_of3A_254] : memref<100000000xf32, #tpu.memory_space<hbm>> -> memref<40000xf32, #tpu.memory_space<hbm>>
          %dma_start3A_256 = tpu.memref_slice %arg8[%multiple_of3A_254] : memref<100000000xf32, #tpu.memory_space<hbm>> -> memref<40000xf32, #tpu.memory_space<hbm>>
          tpu.enqueue_dma source(%arg26 : memref<40000xf32, #tpu.memory_space<vmem>>) target(%dma_start3A_256 : memref<40000xf32, #tpu.memory_space<hbm>>) target_semaphore(%arg29 : memref<!tpu.dma_semaphore, #tpu.memory_space<semaphore_mem>>)
        } else {
        }
      } else {
      }
      %mul3A_193 = arith.constant 16 : i32
      %mul3A_194 = arith.muli %add3A_174, %mul3A_193 : i32
      %multiple_of3A_195 = tpu.assume_multiple %mul3A_194, 16 : i32
      %mul3A_196 = arith.constant 16 : i32
      %mul3A_197 = arith.muli %scan3A_172, %mul3A_196 : i32
      %multiple_of3A_198 = tpu.assume_multiple %mul3A_197, 16 : i32
      %get3A_199 = arith.index_cast %multiple_of3A_195 : i32 to index
      %get3A_200 = tpu.vector_load %arg11[%get3A_199] {strides = array<i32>} : memref<10000xi32, #tpu.memory_space<vmem>>, vector<16xi32>,
      %get3A_201 = arith.index_cast %multiple_of3A_195 : i32 to index
      %get3A_202 = tpu.vector_load %arg12[%get3A_201] {strides = array<i32>} : memref<10000xi32, #tpu.memory_space<vmem>>, vector<16xi32>,
      %get3A_203 = arith.index_cast %multiple_of3A_195 : i32 to index
      %get3A_204 = tpu.vector_load %arg13[%get3A_203] {strides = array<i32>} : memref<10000xf32, #tpu.memory_space<vmem>>, vector<16xf32>,
      %gather3A = tpu.vector_load_idx %arg9[%get3A_200] : memref<10000xf32, #tpu.memory_space<vmem>>[vector<16xi32>], vector<16xf32>,
      %gather3A_205 = tpu.vector_load_idx %arg10[%get3A_202] : memref<10000xf32, #tpu.memory_space<vmem>>[vector<16xi32>], vector<16xf32>,
      %mul3A_206 = arith.constant 10000 : i32
      %mul3A_207 = vector.broadcast %mul3A_206 : i32 to vector<16xi32>
      %mul3A_208 = arith.muli %get3A_200, %mul3A_207 : vector<16xi32>
      %add3A_209 = arith.addi %mul3A_208, %get3A_202 : vector<16xi32>
      %swap3A = arith.index_cast %multiple_of3A_198 : i32 to index
      %swap3A_210 = tpu.vector_load %arg15[%swap3A] {strides = array<i32>} : memref<2000xi32, #tpu.memory_space<vmem>>, vector<16xi32>,
      tpu.vector_store %arg15[%swap3A], %add3A_209 {strides = array<i32>} : memref<2000xi32, #tpu.memory_space<vmem>>, vector<16xi32>,
      %add3A_211 = arith.addf %gather3A, %gather3A_205 : vector<16xf32>
      %mul3A_212 = arith.mulf %get3A_204, %get3A_91 : vector<16xf32>
      %add3A_213 = arith.addf %add3A_211, %mul3A_212 : vector<16xf32>
      %add3A_214 = arith.addf %add3A_213, %get3A_93 : vector<16xf32>
      %swap3A_215 = arith.index_cast %multiple_of3A_198 : i32 to index
      %swap3A_216 = tpu.vector_load %arg20[%swap3A_215] {strides = array<i32>} : memref<2000xf32, #tpu.memory_space<vmem>>, vector<16xf32>,
      tpu.vector_store %arg20[%swap3A_215], %add3A_214 {strides = array<i32>} : memref<2000xf32, #tpu.memory_space<vmem>>, vector<16xf32>,
    }
    %scan3A_105 = arith.constant 125 : i32
    %scan3A_106 = arith.constant 0 : i32
    %scan3A_107 = arith.constant 0 : i32
    %scan3A_108 = arith.constant 125 : i32
    %scan3A_109 = arith.addi %scan3A_107, %scan3A_108 : i32
    %scan3A_110 = arith.constant 1 : i32
    scf.for %scan3A_172 = %scan3A_107 to %scan3A_109 step %scan3A_110  : i32 {
      %add3A_173 = arith.constant 250 : i32
      %add3A_174 = arith.addi %add3A_173, %scan3A_172 : i32
      %jit3A_175 = arith.constant 8 : i32
      %eq3A_176 = arith.constant 0 : i32
      %eq3A_177 = arith.cmpi eq, %jit3A_175, %eq3A_176 : i32
      %jit3A_178 = arith.constant 1 : i32
      %select_n3A_179 = arith.select %eq3A_177, %jit3A_178, %jit3A_175 : i32
      %rem3A = arith.remsi %add3A_174, %select_n3A_179 : i32
      %ne3A = arith.constant 0 : i32
      %ne3A_180 = arith.cmpi ne, %rem3A, %ne3A : i32
      %lt3A_181 = arith.constant 0 : i32
      %lt3A_182 = arith.cmpi slt, %rem3A, %lt3A_181 : i32
      %lt3A_183 = arith.constant 0 : i32
      %lt3A_184 = arith.cmpi slt, %select_n3A_179, %lt3A_183 : i32
      %ne3A_185 = arith.xori %lt3A_182, %lt3A_184 : i1
      %and3A = arith.andi %ne3A_185, %ne3A_180 : i1
      %add3A_186 = arith.addi %rem3A, %select_n3A_179 : i32
      %select_n3A_187 = arith.select %and3A, %add3A_186, %rem3A : i32
      %eq3A_188 = arith.constant 0 : i32
      %eq3A_189 = arith.cmpi eq, %select_n3A_187, %eq3A_188 : i32
      %convert_element_type3A_190 = arith.extui %eq3A_189 : i1 to i32
      %cond3A_191 = arith.constant 0 : i32
      %cond3A_192 = arith.cmpi ne, %convert_element_type3A_190, %cond3A_191 : i32
      scf.if %cond3A_192 {
        %jit3A_217 = arith.constant 8 : i32
        %div3A = arith.divsi %add3A_174, %jit3A_217 : i32
        %sign3A = arith.constant 0 : i32
        %sign3A_218 = arith.cmpi sgt, %add3A_174, %sign3A : i32
        %sign3A_219 = arith.extui %sign3A_218 : i1 to i32
        %sign3A_220 = arith.constant 0 : i32
        %sign3A_221 = arith.cmpi slt, %add3A_174, %sign3A_220 : i32
        %sign3A_222 = arith.extui %sign3A_221 : i1 to i32
        %sign3A_223 = arith.subi %sign3A_219, %sign3A_222 : i32
        %sign3A_224 = arith.constant 0 : i32
        %sign3A_225 = arith.cmpi sgt, %jit3A_217, %sign3A_224 : i32
        %sign3A_226 = arith.extui %sign3A_225 : i1 to i32
        %sign3A_227 = arith.constant 0 : i32
        %sign3A_228 = arith.cmpi slt, %jit3A_217, %sign3A_227 : i32
        %sign3A_229 = arith.extui %sign3A_228 : i1 to i32
        %sign3A_230 = arith.subi %sign3A_226, %sign3A_229 : i32
        %ne3A_231 = arith.cmpi ne, %sign3A_223, %sign3A_230 : i32
        %rem3A_232 = arith.remsi %add3A_174, %jit3A_217 : i32
        %ne3A_233 = arith.constant 0 : i32
        %ne3A_234 = arith.cmpi ne, %rem3A_232, %ne3A_233 : i32
        %and3A_235 = arith.andi %ne3A_231, %ne3A_234 : i1
        %sub3A = arith.constant 1 : i32
        %sub3A_236 = arith.subi %div3A, %sub3A : i32
        %select_n3A_237 = arith.select %and3A_235, %sub3A_236, %div3A : i32
        %add3A_238 = arith.constant 4 : i32
        %add3A_239 = arith.addi %select_n3A_237, %add3A_238 : i32
        %lt3A_240 = arith.cmpi slt, %add3A_239, %add3A_33 : i32
        %convert_element_type3A_241 = arith.extui %lt3A_240 : i1 to i32
        %cond3A_242 = arith.constant 0 : i32
        %cond3A_243 = arith.cmpi ne, %convert_element_type3A_241, %cond3A_242 : i32
        scf.if %cond3A_243 {
          %dma_wait3A_244 = arith.constant 0 : i32
          %dma_wait3A_245 = tpu.memref_slice %arg8[%dma_wait3A_244] : memref<100000000xf32, #tpu.memory_space<hbm>> -> memref<40000xf32, #tpu.memory_space<hbm>>
          %dma_wait3A_246 = arith.constant 0 : i32
          %dma_wait3A_247 = tpu.memref_slice %arg8[%dma_wait3A_246] : memref<100000000xf32, #tpu.memory_space<hbm>> -> memref<40000xf32, #tpu.memory_space<hbm>>
          tpu.wait_dma2 semaphore(%arg29 : memref<!tpu.dma_semaphore, #tpu.memory_space<semaphore_mem>>) src(%arg26 : memref<40000xf32, #tpu.memory_space<vmem>>) dst(%dma_wait3A_247 : memref<40000xf32, #tpu.memory_space<hbm>>)
          %mul3A_248 = arith.constant 16 : i32
          %mul3A_249 = arith.muli %mul3A_248, %add3A_239 : i32
          %add3A_250 = arith.addi %arg1, %mul3A_249 : i32
          %mul3A_251 = arith.constant 40000 : i32
          %mul3A_252 = arith.muli %add3A_250, %mul3A_251 : i32
          %add3A_253 = arith.addi %mul3A_29, %mul3A_252 : i32
          %multiple_of3A_254 = tpu.assume_multiple %add3A_253, 8 : i32
          %dma_start3A_255 = tpu.memref_slice %arg8[%multiple_of3A_254] : memref<100000000xf32, #tpu.memory_space<hbm>> -> memref<40000xf32, #tpu.memory_space<hbm>>
          %dma_start3A_256 = tpu.memref_slice %arg8[%multiple_of3A_254] : memref<100000000xf32, #tpu.memory_space<hbm>> -> memref<40000xf32, #tpu.memory_space<hbm>>
          tpu.enqueue_dma source(%arg26 : memref<40000xf32, #tpu.memory_space<vmem>>) target(%dma_start3A_256 : memref<40000xf32, #tpu.memory_space<hbm>>) target_semaphore(%arg29 : memref<!tpu.dma_semaphore, #tpu.memory_space<semaphore_mem>>)
        } else {
        }
      } else {
      }
      %mul3A_193 = arith.constant 16 : i32
      %mul3A_194 = arith.muli %add3A_174, %mul3A_193 : i32
      %multiple_of3A_195 = tpu.assume_multiple %mul3A_194, 16 : i32
      %mul3A_196 = arith.constant 16 : i32
      %mul3A_197 = arith.muli %scan3A_172, %mul3A_196 : i32
      %multiple_of3A_198 = tpu.assume_multiple %mul3A_197, 16 : i32
      %get3A_199 = arith.index_cast %multiple_of3A_195 : i32 to index
      %get3A_200 = tpu.vector_load %arg11[%get3A_199] {strides = array<i32>} : memref<10000xi32, #tpu.memory_space<vmem>>, vector<16xi32>,
      %get3A_201 = arith.index_cast %multiple_of3A_195 : i32 to index
      %get3A_202 = tpu.vector_load %arg12[%get3A_201] {strides = array<i32>} : memref<10000xi32, #tpu.memory_space<vmem>>, vector<16xi32>,
      %get3A_203 = arith.index_cast %multiple_of3A_195 : i32 to index
      %get3A_204 = tpu.vector_load %arg13[%get3A_203] {strides = array<i32>} : memref<10000xf32, #tpu.memory_space<vmem>>, vector<16xf32>,
      %gather3A = tpu.vector_load_idx %arg9[%get3A_200] : memref<10000xf32, #tpu.memory_space<vmem>>[vector<16xi32>], vector<16xf32>,
      %gather3A_205 = tpu.vector_load_idx %arg10[%get3A_202] : memref<10000xf32, #tpu.memory_space<vmem>>[vector<16xi32>], vector<16xf32>,
      %mul3A_206 = arith.constant 10000 : i32
      %mul3A_207 = vector.broadcast %mul3A_206 : i32 to vector<16xi32>
      %mul3A_208 = arith.muli %get3A_200, %mul3A_207 : vector<16xi32>
      %add3A_209 = arith.addi %mul3A_208, %get3A_202 : vector<16xi32>
      %swap3A = arith.index_cast %multiple_of3A_198 : i32 to index
      %swap3A_210 = tpu.vector_load %arg16[%swap3A] {strides = array<i32>} : memref<2000xi32, #tpu.memory_space<vmem>>, vector<16xi32>,
      tpu.vector_store %arg16[%swap3A], %add3A_209 {strides = array<i32>} : memref<2000xi32, #tpu.memory_space<vmem>>, vector<16xi32>,
      %add3A_211 = arith.addf %gather3A, %gather3A_205 : vector<16xf32>
      %mul3A_212 = arith.mulf %get3A_204, %get3A_91 : vector<16xf32>
      %add3A_213 = arith.addf %add3A_211, %mul3A_212 : vector<16xf32>
      %add3A_214 = arith.addf %add3A_213, %get3A_93 : vector<16xf32>
      %swap3A_215 = arith.index_cast %multiple_of3A_198 : i32 to index
      %swap3A_216 = tpu.vector_load %arg21[%swap3A_215] {strides = array<i32>} : memref<2000xf32, #tpu.memory_space<vmem>>, vector<16xf32>,
      tpu.vector_store %arg21[%swap3A_215], %add3A_214 {strides = array<i32>} : memref<2000xf32, #tpu.memory_space<vmem>>, vector<16xf32>,
    }
    %scan3A_111 = arith.constant 125 : i32
    %scan3A_112 = arith.constant 0 : i32
    %scan3A_113 = arith.constant 0 : i32
    %scan3A_114 = arith.constant 125 : i32
    %scan3A_115 = arith.addi %scan3A_113, %scan3A_114 : i32
    %scan3A_116 = arith.constant 1 : i32
    scf.for %scan3A_172 = %scan3A_113 to %scan3A_115 step %scan3A_116  : i32 {
      %add3A_173 = arith.constant 375 : i32
      %add3A_174 = arith.addi %add3A_173, %scan3A_172 : i32
      %jit3A_175 = arith.constant 8 : i32
      %eq3A_176 = arith.constant 0 : i32
      %eq3A_177 = arith.cmpi eq, %jit3A_175, %eq3A_176 : i32
      %jit3A_178 = arith.constant 1 : i32
      %select_n3A_179 = arith.select %eq3A_177, %jit3A_178, %jit3A_175 : i32
      %rem3A = arith.remsi %add3A_174, %select_n3A_179 : i32
      %ne3A = arith.constant 0 : i32
      %ne3A_180 = arith.cmpi ne, %rem3A, %ne3A : i32
      %lt3A_181 = arith.constant 0 : i32
      %lt3A_182 = arith.cmpi slt, %rem3A, %lt3A_181 : i32
      %lt3A_183 = arith.constant 0 : i32
      %lt3A_184 = arith.cmpi slt, %select_n3A_179, %lt3A_183 : i32
      %ne3A_185 = arith.xori %lt3A_182, %lt3A_184 : i1
      %and3A = arith.andi %ne3A_185, %ne3A_180 : i1
      %add3A_186 = arith.addi %rem3A, %select_n3A_179 : i32
      %select_n3A_187 = arith.select %and3A, %add3A_186, %rem3A : i32
      %eq3A_188 = arith.constant 0 : i32
      %eq3A_189 = arith.cmpi eq, %select_n3A_187, %eq3A_188 : i32
      %convert_element_type3A_190 = arith.extui %eq3A_189 : i1 to i32
      %cond3A_191 = arith.constant 0 : i32
      %cond3A_192 = arith.cmpi ne, %convert_element_type3A_190, %cond3A_191 : i32
      scf.if %cond3A_192 {
        %jit3A_217 = arith.constant 8 : i32
        %div3A = arith.divsi %add3A_174, %jit3A_217 : i32
        %sign3A = arith.constant 0 : i32
        %sign3A_218 = arith.cmpi sgt, %add3A_174, %sign3A : i32
        %sign3A_219 = arith.extui %sign3A_218 : i1 to i32
        %sign3A_220 = arith.constant 0 : i32
        %sign3A_221 = arith.cmpi slt, %add3A_174, %sign3A_220 : i32
        %sign3A_222 = arith.extui %sign3A_221 : i1 to i32
        %sign3A_223 = arith.subi %sign3A_219, %sign3A_222 : i32
        %sign3A_224 = arith.constant 0 : i32
        %sign3A_225 = arith.cmpi sgt, %jit3A_217, %sign3A_224 : i32
        %sign3A_226 = arith.extui %sign3A_225 : i1 to i32
        %sign3A_227 = arith.constant 0 : i32
        %sign3A_228 = arith.cmpi slt, %jit3A_217, %sign3A_227 : i32
        %sign3A_229 = arith.extui %sign3A_228 : i1 to i32
        %sign3A_230 = arith.subi %sign3A_226, %sign3A_229 : i32
        %ne3A_231 = arith.cmpi ne, %sign3A_223, %sign3A_230 : i32
        %rem3A_232 = arith.remsi %add3A_174, %jit3A_217 : i32
        %ne3A_233 = arith.constant 0 : i32
        %ne3A_234 = arith.cmpi ne, %rem3A_232, %ne3A_233 : i32
        %and3A_235 = arith.andi %ne3A_231, %ne3A_234 : i1
        %sub3A = arith.constant 1 : i32
        %sub3A_236 = arith.subi %div3A, %sub3A : i32
        %select_n3A_237 = arith.select %and3A_235, %sub3A_236, %div3A : i32
        %add3A_238 = arith.constant 4 : i32
        %add3A_239 = arith.addi %select_n3A_237, %add3A_238 : i32
        %lt3A_240 = arith.cmpi slt, %add3A_239, %add3A_33 : i32
        %convert_element_type3A_241 = arith.extui %lt3A_240 : i1 to i32
        %cond3A_242 = arith.constant 0 : i32
        %cond3A_243 = arith.cmpi ne, %convert_element_type3A_241, %cond3A_242 : i32
        scf.if %cond3A_243 {
          %dma_wait3A_244 = arith.constant 0 : i32
          %dma_wait3A_245 = tpu.memref_slice %arg8[%dma_wait3A_244] : memref<100000000xf32, #tpu.memory_space<hbm>> -> memref<40000xf32, #tpu.memory_space<hbm>>
          %dma_wait3A_246 = arith.constant 0 : i32
          %dma_wait3A_247 = tpu.memref_slice %arg8[%dma_wait3A_246] : memref<100000000xf32, #tpu.memory_space<hbm>> -> memref<40000xf32, #tpu.memory_space<hbm>>
          tpu.wait_dma2 semaphore(%arg29 : memref<!tpu.dma_semaphore, #tpu.memory_space<semaphore_mem>>) src(%arg26 : memref<40000xf32, #tpu.memory_space<vmem>>) dst(%dma_wait3A_247 : memref<40000xf32, #tpu.memory_space<hbm>>)
          %mul3A_248 = arith.constant 16 : i32
          %mul3A_249 = arith.muli %mul3A_248, %add3A_239 : i32
          %add3A_250 = arith.addi %arg1, %mul3A_249 : i32
          %mul3A_251 = arith.constant 40000 : i32
          %mul3A_252 = arith.muli %add3A_250, %mul3A_251 : i32
          %add3A_253 = arith.addi %mul3A_29, %mul3A_252 : i32
          %multiple_of3A_254 = tpu.assume_multiple %add3A_253, 8 : i32
          %dma_start3A_255 = tpu.memref_slice %arg8[%multiple_of3A_254] : memref<100000000xf32, #tpu.memory_space<hbm>> -> memref<40000xf32, #tpu.memory_space<hbm>>
          %dma_start3A_256 = tpu.memref_slice %arg8[%multiple_of3A_254] : memref<100000000xf32, #tpu.memory_space<hbm>> -> memref<40000xf32, #tpu.memory_space<hbm>>
          tpu.enqueue_dma source(%arg26 : memref<40000xf32, #tpu.memory_space<vmem>>) target(%dma_start3A_256 : memref<40000xf32, #tpu.memory_space<hbm>>) target_semaphore(%arg29 : memref<!tpu.dma_semaphore, #tpu.memory_space<semaphore_mem>>)
        } else {
        }
      } else {
      }
      %mul3A_193 = arith.constant 16 : i32
      %mul3A_194 = arith.muli %add3A_174, %mul3A_193 : i32
      %multiple_of3A_195 = tpu.assume_multiple %mul3A_194, 16 : i32
      %mul3A_196 = arith.constant 16 : i32
      %mul3A_197 = arith.muli %scan3A_172, %mul3A_196 : i32
      %multiple_of3A_198 = tpu.assume_multiple %mul3A_197, 16 : i32
      %get3A_199 = arith.index_cast %multiple_of3A_195 : i32 to index
      %get3A_200 = tpu.vector_load %arg11[%get3A_199] {strides = array<i32>} : memref<10000xi32, #tpu.memory_space<vmem>>, vector<16xi32>,
      %get3A_201 = arith.index_cast %multiple_of3A_195 : i32 to index
      %get3A_202 = tpu.vector_load %arg12[%get3A_201] {strides = array<i32>} : memref<10000xi32, #tpu.memory_space<vmem>>, vector<16xi32>,
      %get3A_203 = arith.index_cast %multiple_of3A_195 : i32 to index
      %get3A_204 = tpu.vector_load %arg13[%get3A_203] {strides = array<i32>} : memref<10000xf32, #tpu.memory_space<vmem>>, vector<16xf32>,
      %gather3A = tpu.vector_load_idx %arg9[%get3A_200] : memref<10000xf32, #tpu.memory_space<vmem>>[vector<16xi32>], vector<16xf32>,
      %gather3A_205 = tpu.vector_load_idx %arg10[%get3A_202] : memref<10000xf32, #tpu.memory_space<vmem>>[vector<16xi32>], vector<16xf32>,
      %mul3A_206 = arith.constant 10000 : i32
      %mul3A_207 = vector.broadcast %mul3A_206 : i32 to vector<16xi32>
      %mul3A_208 = arith.muli %get3A_200, %mul3A_207 : vector<16xi32>
      %add3A_209 = arith.addi %mul3A_208, %get3A_202 : vector<16xi32>
      %swap3A = arith.index_cast %multiple_of3A_198 : i32 to index
      %swap3A_210 = tpu.vector_load %arg17[%swap3A] {strides = array<i32>} : memref<2000xi32, #tpu.memory_space<vmem>>, vector<16xi32>,
      tpu.vector_store %arg17[%swap3A], %add3A_209 {strides = array<i32>} : memref<2000xi32, #tpu.memory_space<vmem>>, vector<16xi32>,
      %add3A_211 = arith.addf %gather3A, %gather3A_205 : vector<16xf32>
      %mul3A_212 = arith.mulf %get3A_204, %get3A_91 : vector<16xf32>
      %add3A_213 = arith.addf %add3A_211, %mul3A_212 : vector<16xf32>
      %add3A_214 = arith.addf %add3A_213, %get3A_93 : vector<16xf32>
      %swap3A_215 = arith.index_cast %multiple_of3A_198 : i32 to index
      %swap3A_216 = tpu.vector_load %arg22[%swap3A_215] {strides = array<i32>} : memref<2000xf32, #tpu.memory_space<vmem>>, vector<16xf32>,
      tpu.vector_store %arg22[%swap3A_215], %add3A_214 {strides = array<i32>} : memref<2000xf32, #tpu.memory_space<vmem>>, vector<16xf32>,
    }
    %scan3A_117 = arith.constant 125 : i32
    %scan3A_118 = arith.constant 0 : i32
    %scan3A_119 = arith.constant 0 : i32
    %scan3A_120 = arith.constant 125 : i32
    %scan3A_121 = arith.addi %scan3A_119, %scan3A_120 : i32
    %scan3A_122 = arith.constant 1 : i32
    scf.for %scan3A_172 = %scan3A_119 to %scan3A_121 step %scan3A_122  : i32 {
      %add3A_173 = arith.constant 500 : i32
      %add3A_174 = arith.addi %add3A_173, %scan3A_172 : i32
      %jit3A_175 = arith.constant 8 : i32
      %eq3A_176 = arith.constant 0 : i32
      %eq3A_177 = arith.cmpi eq, %jit3A_175, %eq3A_176 : i32
      %jit3A_178 = arith.constant 1 : i32
      %select_n3A_179 = arith.select %eq3A_177, %jit3A_178, %jit3A_175 : i32
      %rem3A = arith.remsi %add3A_174, %select_n3A_179 : i32
      %ne3A = arith.constant 0 : i32
      %ne3A_180 = arith.cmpi ne, %rem3A, %ne3A : i32
      %lt3A_181 = arith.constant 0 : i32
      %lt3A_182 = arith.cmpi slt, %rem3A, %lt3A_181 : i32
      %lt3A_183 = arith.constant 0 : i32
      %lt3A_184 = arith.cmpi slt, %select_n3A_179, %lt3A_183 : i32
      %ne3A_185 = arith.xori %lt3A_182, %lt3A_184 : i1
      %and3A = arith.andi %ne3A_185, %ne3A_180 : i1
      %add3A_186 = arith.addi %rem3A, %select_n3A_179 : i32
      %select_n3A_187 = arith.select %and3A, %add3A_186, %rem3A : i32
      %eq3A_188 = arith.constant 0 : i32
      %eq3A_189 = arith.cmpi eq, %select_n3A_187, %eq3A_188 : i32
      %convert_element_type3A_190 = arith.extui %eq3A_189 : i1 to i32
      %cond3A_191 = arith.constant 0 : i32
      %cond3A_192 = arith.cmpi ne, %convert_element_type3A_190, %cond3A_191 : i32
      scf.if %cond3A_192 {
        %jit3A_217 = arith.constant 8 : i32
        %div3A = arith.divsi %add3A_174, %jit3A_217 : i32
        %sign3A = arith.constant 0 : i32
        %sign3A_218 = arith.cmpi sgt, %add3A_174, %sign3A : i32
        %sign3A_219 = arith.extui %sign3A_218 : i1 to i32
        %sign3A_220 = arith.constant 0 : i32
        %sign3A_221 = arith.cmpi slt, %add3A_174, %sign3A_220 : i32
        %sign3A_222 = arith.extui %sign3A_221 : i1 to i32
        %sign3A_223 = arith.subi %sign3A_219, %sign3A_222 : i32
        %sign3A_224 = arith.constant 0 : i32
        %sign3A_225 = arith.cmpi sgt, %jit3A_217, %sign3A_224 : i32
        %sign3A_226 = arith.extui %sign3A_225 : i1 to i32
        %sign3A_227 = arith.constant 0 : i32
        %sign3A_228 = arith.cmpi slt, %jit3A_217, %sign3A_227 : i32
        %sign3A_229 = arith.extui %sign3A_228 : i1 to i32
        %sign3A_230 = arith.subi %sign3A_226, %sign3A_229 : i32
        %ne3A_231 = arith.cmpi ne, %sign3A_223, %sign3A_230 : i32
        %rem3A_232 = arith.remsi %add3A_174, %jit3A_217 : i32
        %ne3A_233 = arith.constant 0 : i32
        %ne3A_234 = arith.cmpi ne, %rem3A_232, %ne3A_233 : i32
        %and3A_235 = arith.andi %ne3A_231, %ne3A_234 : i1
        %sub3A = arith.constant 1 : i32
        %sub3A_236 = arith.subi %div3A, %sub3A : i32
        %select_n3A_237 = arith.select %and3A_235, %sub3A_236, %div3A : i32
        %add3A_238 = arith.constant 4 : i32
        %add3A_239 = arith.addi %select_n3A_237, %add3A_238 : i32
        %lt3A_240 = arith.cmpi slt, %add3A_239, %add3A_33 : i32
        %convert_element_type3A_241 = arith.extui %lt3A_240 : i1 to i32
        %cond3A_242 = arith.constant 0 : i32
        %cond3A_243 = arith.cmpi ne, %convert_element_type3A_241, %cond3A_242 : i32
        scf.if %cond3A_243 {
          %dma_wait3A_244 = arith.constant 0 : i32
          %dma_wait3A_245 = tpu.memref_slice %arg8[%dma_wait3A_244] : memref<100000000xf32, #tpu.memory_space<hbm>> -> memref<40000xf32, #tpu.memory_space<hbm>>
          %dma_wait3A_246 = arith.constant 0 : i32
          %dma_wait3A_247 = tpu.memref_slice %arg8[%dma_wait3A_246] : memref<100000000xf32, #tpu.memory_space<hbm>> -> memref<40000xf32, #tpu.memory_space<hbm>>
          tpu.wait_dma2 semaphore(%arg29 : memref<!tpu.dma_semaphore, #tpu.memory_space<semaphore_mem>>) src(%arg26 : memref<40000xf32, #tpu.memory_space<vmem>>) dst(%dma_wait3A_247 : memref<40000xf32, #tpu.memory_space<hbm>>)
          %mul3A_248 = arith.constant 16 : i32
          %mul3A_249 = arith.muli %mul3A_248, %add3A_239 : i32
          %add3A_250 = arith.addi %arg1, %mul3A_249 : i32
          %mul3A_251 = arith.constant 40000 : i32
          %mul3A_252 = arith.muli %add3A_250, %mul3A_251 : i32
          %add3A_253 = arith.addi %mul3A_29, %mul3A_252 : i32
          %multiple_of3A_254 = tpu.assume_multiple %add3A_253, 8 : i32
          %dma_start3A_255 = tpu.memref_slice %arg8[%multiple_of3A_254] : memref<100000000xf32, #tpu.memory_space<hbm>> -> memref<40000xf32, #tpu.memory_space<hbm>>
          %dma_start3A_256 = tpu.memref_slice %arg8[%multiple_of3A_254] : memref<100000000xf32, #tpu.memory_space<hbm>> -> memref<40000xf32, #tpu.memory_space<hbm>>
          tpu.enqueue_dma source(%arg26 : memref<40000xf32, #tpu.memory_space<vmem>>) target(%dma_start3A_256 : memref<40000xf32, #tpu.memory_space<hbm>>) target_semaphore(%arg29 : memref<!tpu.dma_semaphore, #tpu.memory_space<semaphore_mem>>)
        } else {
        }
      } else {
      }
      %mul3A_193 = arith.constant 16 : i32
      %mul3A_194 = arith.muli %add3A_174, %mul3A_193 : i32
      %multiple_of3A_195 = tpu.assume_multiple %mul3A_194, 16 : i32
      %mul3A_196 = arith.constant 16 : i32
      %mul3A_197 = arith.muli %scan3A_172, %mul3A_196 : i32
      %multiple_of3A_198 = tpu.assume_multiple %mul3A_197, 16 : i32
      %get3A_199 = arith.index_cast %multiple_of3A_195 : i32 to index
      %get3A_200 = tpu.vector_load %arg11[%get3A_199] {strides = array<i32>} : memref<10000xi32, #tpu.memory_space<vmem>>, vector<16xi32>,
      %get3A_201 = arith.index_cast %multiple_of3A_195 : i32 to index
      %get3A_202 = tpu.vector_load %arg12[%get3A_201] {strides = array<i32>} : memref<10000xi32, #tpu.memory_space<vmem>>, vector<16xi32>,
      %get3A_203 = arith.index_cast %multiple_of3A_195 : i32 to index
      %get3A_204 = tpu.vector_load %arg13[%get3A_203] {strides = array<i32>} : memref<10000xf32, #tpu.memory_space<vmem>>, vector<16xf32>,
      %gather3A = tpu.vector_load_idx %arg9[%get3A_200] : memref<10000xf32, #tpu.memory_space<vmem>>[vector<16xi32>], vector<16xf32>,
      %gather3A_205 = tpu.vector_load_idx %arg10[%get3A_202] : memref<10000xf32, #tpu.memory_space<vmem>>[vector<16xi32>], vector<16xf32>,
      %mul3A_206 = arith.constant 10000 : i32
      %mul3A_207 = vector.broadcast %mul3A_206 : i32 to vector<16xi32>
      %mul3A_208 = arith.muli %get3A_200, %mul3A_207 : vector<16xi32>
      %add3A_209 = arith.addi %mul3A_208, %get3A_202 : vector<16xi32>
      %swap3A = arith.index_cast %multiple_of3A_198 : i32 to index
      %swap3A_210 = tpu.vector_load %arg18[%swap3A] {strides = array<i32>} : memref<2000xi32, #tpu.memory_space<vmem>>, vector<16xi32>,
      tpu.vector_store %arg18[%swap3A], %add3A_209 {strides = array<i32>} : memref<2000xi32, #tpu.memory_space<vmem>>, vector<16xi32>,
      %add3A_211 = arith.addf %gather3A, %gather3A_205 : vector<16xf32>
      %mul3A_212 = arith.mulf %get3A_204, %get3A_91 : vector<16xf32>
      %add3A_213 = arith.addf %add3A_211, %mul3A_212 : vector<16xf32>
      %add3A_214 = arith.addf %add3A_213, %get3A_93 : vector<16xf32>
      %swap3A_215 = arith.index_cast %multiple_of3A_198 : i32 to index
      %swap3A_216 = tpu.vector_load %arg23[%swap3A_215] {strides = array<i32>} : memref<2000xf32, #tpu.memory_space<vmem>>, vector<16xf32>,
      tpu.vector_store %arg23[%swap3A_215], %add3A_214 {strides = array<i32>} : memref<2000xf32, #tpu.memory_space<vmem>>, vector<16xf32>,
    }
    %scan3A_123 = arith.constant 125 : i32
    %while3A = arith.constant 0 : i32
    %while3A_124 = arith.constant 82 : i32
    %while3A_125 = arith.subi %add3A_33, %while3A_124 : i32
    %while3A_126 = arith.addi %while3A_124, %while3A_125 : i32
    %while3A_127 = arith.constant 1 : i32
    %while3A_128 = arith.divsi %while3A_125, %while3A_127 : i32
    %while3A_129 = arith.muli %while3A_128, %while3A_127 : i32
    %while3A_130 = arith.addi %while3A_124, %while3A_129 : i32
    %while3A_131 = arith.constant 1 : i32
    scf.for %while3A_172 = %while3A_124 to %while3A_130 step %while3A_131  : i32 {
      %dma_wait3A_173 = arith.constant 0 : i32
      %dma_wait3A_174 = tpu.memref_slice %arg8[%dma_wait3A_173] : memref<100000000xf32, #tpu.memory_space<hbm>> -> memref<40000xf32, #tpu.memory_space<hbm>>
      %dma_wait3A_175 = arith.constant 0 : i32
      %dma_wait3A_176 = tpu.memref_slice %arg8[%dma_wait3A_175] : memref<100000000xf32, #tpu.memory_space<hbm>> -> memref<40000xf32, #tpu.memory_space<hbm>>
      tpu.wait_dma2 semaphore(%arg29 : memref<!tpu.dma_semaphore, #tpu.memory_space<semaphore_mem>>) src(%arg26 : memref<40000xf32, #tpu.memory_space<vmem>>) dst(%dma_wait3A_176 : memref<40000xf32, #tpu.memory_space<hbm>>)
      %mul3A_177 = arith.constant 16 : i32
      %mul3A_178 = arith.muli %mul3A_177, %while3A_172 : i32
      %add3A_179 = arith.addi %arg1, %mul3A_178 : i32
      %mul3A_180 = arith.constant 40000 : i32
      %mul3A_181 = arith.muli %add3A_179, %mul3A_180 : i32
      %add3A_182 = arith.addi %mul3A_29, %mul3A_181 : i32
      %multiple_of3A_183 = tpu.assume_multiple %add3A_182, 8 : i32
      %dma_start3A_184 = tpu.memref_slice %arg8[%multiple_of3A_183] : memref<100000000xf32, #tpu.memory_space<hbm>> -> memref<40000xf32, #tpu.memory_space<hbm>>
      %dma_start3A_185 = tpu.memref_slice %arg8[%multiple_of3A_183] : memref<100000000xf32, #tpu.memory_space<hbm>> -> memref<40000xf32, #tpu.memory_space<hbm>>
      tpu.enqueue_dma source(%arg26 : memref<40000xf32, #tpu.memory_space<vmem>>) target(%dma_start3A_185 : memref<40000xf32, #tpu.memory_space<hbm>>) target_semaphore(%arg29 : memref<!tpu.dma_semaphore, #tpu.memory_space<semaphore_mem>>)
    }
    %while3A_132 = arith.constant 1 : i32
    scf.for %while3A_172 = %while3A_130 to %while3A_126 step %while3A_132  : i32 {
      %dma_wait3A_173 = arith.constant 0 : i32
      %dma_wait3A_174 = tpu.memref_slice %arg8[%dma_wait3A_173] : memref<100000000xf32, #tpu.memory_space<hbm>> -> memref<40000xf32, #tpu.memory_space<hbm>>
      %dma_wait3A_175 = arith.constant 0 : i32
      %dma_wait3A_176 = tpu.memref_slice %arg8[%dma_wait3A_175] : memref<100000000xf32, #tpu.memory_space<hbm>> -> memref<40000xf32, #tpu.memory_space<hbm>>
      tpu.wait_dma2 semaphore(%arg29 : memref<!tpu.dma_semaphore, #tpu.memory_space<semaphore_mem>>) src(%arg26 : memref<40000xf32, #tpu.memory_space<vmem>>) dst(%dma_wait3A_176 : memref<40000xf32, #tpu.memory_space<hbm>>)
      %mul3A_177 = arith.constant 16 : i32
      %mul3A_178 = arith.muli %mul3A_177, %while3A_172 : i32
      %add3A_179 = arith.addi %arg1, %mul3A_178 : i32
      %mul3A_180 = arith.constant 40000 : i32
      %mul3A_181 = arith.muli %add3A_179, %mul3A_180 : i32
      %add3A_182 = arith.addi %mul3A_29, %mul3A_181 : i32
      %multiple_of3A_183 = tpu.assume_multiple %add3A_182, 8 : i32
      %dma_start3A_184 = tpu.memref_slice %arg8[%multiple_of3A_183] : memref<100000000xf32, #tpu.memory_space<hbm>> -> memref<40000xf32, #tpu.memory_space<hbm>>
      %dma_start3A_185 = tpu.memref_slice %arg8[%multiple_of3A_183] : memref<100000000xf32, #tpu.memory_space<hbm>> -> memref<40000xf32, #tpu.memory_space<hbm>>
      tpu.enqueue_dma source(%arg26 : memref<40000xf32, #tpu.memory_space<vmem>>) target(%dma_start3A_185 : memref<40000xf32, #tpu.memory_space<hbm>>) target_semaphore(%arg29 : memref<!tpu.dma_semaphore, #tpu.memory_space<semaphore_mem>>)
    }
    %dma_wait3A_133 = arith.constant 0 : i32
    %dma_wait3A_134 = tpu.memref_slice %arg8[%dma_wait3A_133] : memref<100000000xf32, #tpu.memory_space<hbm>> -> memref<40000xf32, #tpu.memory_space<hbm>>
    %dma_wait3A_135 = arith.constant 0 : i32
    %dma_wait3A_136 = tpu.memref_slice %arg8[%dma_wait3A_135] : memref<100000000xf32, #tpu.memory_space<hbm>> -> memref<40000xf32, #tpu.memory_space<hbm>>
    tpu.wait_dma2 semaphore(%arg29 : memref<!tpu.dma_semaphore, #tpu.memory_space<semaphore_mem>>) src(%arg26 : memref<40000xf32, #tpu.memory_space<vmem>>) dst(%dma_wait3A_136 : memref<40000xf32, #tpu.memory_space<hbm>>)
    %dma_wait3A_137 = arith.constant 0 : i32
    %dma_wait3A_138 = tpu.memref_slice %arg8[%dma_wait3A_137] : memref<100000000xf32, #tpu.memory_space<hbm>> -> memref<40000xf32, #tpu.memory_space<hbm>>
    %dma_wait3A_139 = arith.constant 0 : i32
    %dma_wait3A_140 = tpu.memref_slice %arg8[%dma_wait3A_139] : memref<100000000xf32, #tpu.memory_space<hbm>> -> memref<40000xf32, #tpu.memory_space<hbm>>
    tpu.wait_dma2 semaphore(%arg29 : memref<!tpu.dma_semaphore, #tpu.memory_space<semaphore_mem>>) src(%arg26 : memref<40000xf32, #tpu.memory_space<vmem>>) dst(%dma_wait3A_140 : memref<40000xf32, #tpu.memory_space<hbm>>)
    %dma_wait3A_141 = arith.constant 0 : i32
    %dma_wait3A_142 = tpu.memref_slice %arg8[%dma_wait3A_141] : memref<100000000xf32, #tpu.memory_space<hbm>> -> memref<40000xf32, #tpu.memory_space<hbm>>
    %dma_wait3A_143 = arith.constant 0 : i32
    %dma_wait3A_144 = tpu.memref_slice %arg8[%dma_wait3A_143] : memref<100000000xf32, #tpu.memory_space<hbm>> -> memref<40000xf32, #tpu.memory_space<hbm>>
    tpu.wait_dma2 semaphore(%arg29 : memref<!tpu.dma_semaphore, #tpu.memory_space<semaphore_mem>>) src(%arg26 : memref<40000xf32, #tpu.memory_space<vmem>>) dst(%dma_wait3A_144 : memref<40000xf32, #tpu.memory_space<hbm>>)
    %dma_wait3A_145 = arith.constant 0 : i32
    %dma_wait3A_146 = tpu.memref_slice %arg8[%dma_wait3A_145] : memref<100000000xf32, #tpu.memory_space<hbm>> -> memref<40000xf32, #tpu.memory_space<hbm>>
    %dma_wait3A_147 = arith.constant 0 : i32
    %dma_wait3A_148 = tpu.memref_slice %arg8[%dma_wait3A_147] : memref<100000000xf32, #tpu.memory_space<hbm>> -> memref<40000xf32, #tpu.memory_space<hbm>>
    tpu.wait_dma2 semaphore(%arg29 : memref<!tpu.dma_semaphore, #tpu.memory_space<semaphore_mem>>) src(%arg26 : memref<40000xf32, #tpu.memory_space<vmem>>) dst(%dma_wait3A_148 : memref<40000xf32, #tpu.memory_space<hbm>>)
    %barrier3A = arith.constant 0 : index
    tpu.barrier barrier_id(%barrier3A)
    %eq3A = arith.constant 0 : i32
    %eq3A_149 = arith.cmpi eq, %arg1, %eq3A : i32
    %convert_element_type3A = arith.extui %eq3A_149 : i1 to i32
    %cond3A = arith.constant 0 : i32
    %cond3A_150 = arith.cmpi ne, %convert_element_type3A, %cond3A : i32
    scf.if %cond3A_150 {
      %sub3A = arith.constant 1 : i32
      %sub3A_172 = arith.subi %sub3A, %arg0 : i32
      %semaphore_signal3A = arith.constant 1 : i32
      tpu.sem_signal %arg31, %semaphore_signal3A core_id %sub3A_172 : memref<!tpu.semaphore, #tpu.memory_space<semaphore_mem>>
      %semaphore_wait3A = arith.constant 1 : i32
      %semaphore_wait3A_173 = arith.constant true
      tpu.sem_wait %arg31, %semaphore_wait3A : memref<!tpu.semaphore, #tpu.memory_space<semaphore_mem>>
    } else {
    }
    %barrier3A_151 = arith.constant 0 : index
    tpu.barrier barrier_id(%barrier3A_151)
    %dma_start3A_152 = arith.constant 0 : i32
    %dma_start3A_153 = tpu.memref_slice %arg8[%dma_start3A_152] : memref<100000000xf32, #tpu.memory_space<hbm>> -> memref<100000000xf32, #tpu.memory_space<hbm>>
    tpu.enqueue_indirect_dma source(%arg19 : memref<2000xf32, #tpu.memory_space<vmem>>) target(%dma_start3A_153 : memref<100000000xf32, #tpu.memory_space<hbm>>) offsets(%arg14 : memref<2000xi32, #tpu.memory_space<vmem>>) semaphore(%arg30 : memref<!tpu.dma_semaphore, #tpu.memory_space<semaphore_mem>>)
    %dma_start3A_154 = arith.constant 0 : i32
    %dma_start3A_155 = tpu.memref_slice %arg8[%dma_start3A_154] : memref<100000000xf32, #tpu.memory_space<hbm>> -> memref<100000000xf32, #tpu.memory_space<hbm>>
    tpu.enqueue_indirect_dma source(%arg20 : memref<2000xf32, #tpu.memory_space<vmem>>) target(%dma_start3A_155 : memref<100000000xf32, #tpu.memory_space<hbm>>) offsets(%arg15 : memref<2000xi32, #tpu.memory_space<vmem>>) semaphore(%arg30 : memref<!tpu.dma_semaphore, #tpu.memory_space<semaphore_mem>>)
    %dma_start3A_156 = arith.constant 0 : i32
    %dma_start3A_157 = tpu.memref_slice %arg8[%dma_start3A_156] : memref<100000000xf32, #tpu.memory_space<hbm>> -> memref<100000000xf32, #tpu.memory_space<hbm>>
    tpu.enqueue_indirect_dma source(%arg21 : memref<2000xf32, #tpu.memory_space<vmem>>) target(%dma_start3A_157 : memref<100000000xf32, #tpu.memory_space<hbm>>) offsets(%arg16 : memref<2000xi32, #tpu.memory_space<vmem>>) semaphore(%arg30 : memref<!tpu.dma_semaphore, #tpu.memory_space<semaphore_mem>>)
    %dma_start3A_158 = arith.constant 0 : i32
    %dma_start3A_159 = tpu.memref_slice %arg8[%dma_start3A_158] : memref<100000000xf32, #tpu.memory_space<hbm>> -> memref<100000000xf32, #tpu.memory_space<hbm>>
    tpu.enqueue_indirect_dma source(%arg22 : memref<2000xf32, #tpu.memory_space<vmem>>) target(%dma_start3A_159 : memref<100000000xf32, #tpu.memory_space<hbm>>) offsets(%arg17 : memref<2000xi32, #tpu.memory_space<vmem>>) semaphore(%arg30 : memref<!tpu.dma_semaphore, #tpu.memory_space<semaphore_mem>>)
    %dma_start3A_160 = arith.constant 0 : i32
    %dma_start3A_161 = tpu.memref_slice %arg8[%dma_start3A_160] : memref<100000000xf32, #tpu.memory_space<hbm>> -> memref<100000000xf32, #tpu.memory_space<hbm>>
    tpu.enqueue_indirect_dma source(%arg23 : memref<2000xf32, #tpu.memory_space<vmem>>) target(%dma_start3A_161 : memref<100000000xf32, #tpu.memory_space<hbm>>) offsets(%arg18 : memref<2000xi32, #tpu.memory_space<vmem>>) semaphore(%arg30 : memref<!tpu.dma_semaphore, #tpu.memory_space<semaphore_mem>>)
    %dma_wait3A_162 = arith.constant 0 : i32
    %dma_wait3A_163 = tpu.memref_slice %arg8[%dma_wait3A_162] : memref<100000000xf32, #tpu.memory_space<hbm>> -> memref<100000000xf32, #tpu.memory_space<hbm>>
    tpu.wait_indirect_dma semaphore(%arg30 : memref<!tpu.dma_semaphore, #tpu.memory_space<semaphore_mem>>) src(%arg19 : memref<2000xf32, #tpu.memory_space<vmem>>) dst(%dma_wait3A_163 : memref<100000000xf32, #tpu.memory_space<hbm>>)
    %dma_wait3A_164 = arith.constant 0 : i32
    %dma_wait3A_165 = tpu.memref_slice %arg8[%dma_wait3A_164] : memref<100000000xf32, #tpu.memory_space<hbm>> -> memref<100000000xf32, #tpu.memory_space<hbm>>
    tpu.wait_indirect_dma semaphore(%arg30 : memref<!tpu.dma_semaphore, #tpu.memory_space<semaphore_mem>>) src(%arg20 : memref<2000xf32, #tpu.memory_space<vmem>>) dst(%dma_wait3A_165 : memref<100000000xf32, #tpu.memory_space<hbm>>)
    %dma_wait3A_166 = arith.constant 0 : i32
    %dma_wait3A_167 = tpu.memref_slice %arg8[%dma_wait3A_166] : memref<100000000xf32, #tpu.memory_space<hbm>> -> memref<100000000xf32, #tpu.memory_space<hbm>>
    tpu.wait_indirect_dma semaphore(%arg30 : memref<!tpu.dma_semaphore, #tpu.memory_space<semaphore_mem>>) src(%arg21 : memref<2000xf32, #tpu.memory_space<vmem>>) dst(%dma_wait3A_167 : memref<100000000xf32, #tpu.memory_space<hbm>>)
    %dma_wait3A_168 = arith.constant 0 : i32
    %dma_wait3A_169 = tpu.memref_slice %arg8[%dma_wait3A_168] : memref<100000000xf32, #tpu.memory_space<hbm>> -> memref<100000000xf32, #tpu.memory_space<hbm>>
    tpu.wait_indirect_dma semaphore(%arg30 : memref<!tpu.dma_semaphore, #tpu.memory_space<semaphore_mem>>) src(%arg22 : memref<2000xf32, #tpu.memory_space<vmem>>) dst(%dma_wait3A_169 : memref<100000000xf32, #tpu.memory_space<hbm>>)
    %dma_wait3A_170 = arith.constant 0 : i32
    %dma_wait3A_171 = tpu.memref_slice %arg8[%dma_wait3A_170] : memref<100000000xf32, #tpu.memory_space<hbm>> -> memref<100000000xf32, #tpu.memory_space<hbm>>
    tpu.wait_indirect_dma semaphore(%arg30 : memref<!tpu.dma_semaphore, #tpu.memory_space<semaphore_mem>>) src(%arg23 : memref<2000xf32, #tpu.memory_space<vmem>>) dst(%dma_wait3A_171 : memref<100000000xf32, #tpu.memory_space<hbm>>)
    return
  }
}

module attributes {stable_mosaic.version = 14 : i64} {
  func.func @_ac_body(%arg0: memref<8x128xf32, #tpu.memory_space<vmem>>, %arg1: memref<10000x128xf32, #tpu.memory_space<vmem>>, %arg2: memref<8x10000xf32, #tpu.memory_space<vmem>>) attributes {dimension_semantics = [], scalar_prefetch = 0 : i64, scratch_operands = 0 : i64, tpu.core_type = #tpu.core_type<tc>} {
    %get3A = arith.constant 0 : index
    %get3A_0 = arith.constant 0 : index
    %get3A_1 = vector.load %arg0[%get3A, %get3A_0] : memref<8x128xf32, #tpu.memory_space<vmem>>, vector<8x128xf32>
    %get3A_2 = arith.constant 0 : index
    %get3A_3 = arith.constant 0 : index
    %get3A_4 = vector.load %arg1[%get3A_2, %get3A_3] : memref<10000x128xf32, #tpu.memory_space<vmem>>, vector<10000x128xf32>
    %dot_general3A = arith.constant dense<0.000000e+00> : vector<8x10000xf32>
    %dot_general3A_5 = tpu.matmul %get3A_1, %get3A_4, %dot_general3A {dimension_numbers = #tpu.dot_dimension_numbers<[1], [1], [0], [0], [0, 0, 1, 0], [], []>, precision = #tpu.contract_precision<fp32>, transpose_lhs_hint = false} : vector<8x128xf32>, vector<10000x128xf32>, vector<8x10000xf32> -> vector<8x10000xf32>
    %swap3A = arith.constant 0 : index
    %swap3A_6 = arith.constant 0 : index
    %swap3A_7 = vector.load %arg2[%swap3A, %swap3A_6] : memref<8x10000xf32, #tpu.memory_space<vmem>>, vector<8x10000xf32>
    tpu.vector_store %arg2[%swap3A, %swap3A_6], %dot_general3A_5 {strides = array<i32>} : memref<8x10000xf32, #tpu.memory_space<vmem>>, vector<8x10000xf32>,
    return
  }
}

</mosaic_0001>

<sc_bundles>
// kernel: kernel.4.cloned.1.call-start
scs
__scs_entry_jumppad:
0x0: {  	(pc) =	sbr.rel $0x88, $3  }
0x1: {  	(tag) =	ssettag $0x0;
	lr =	simm.s32 $0x1  }
0x2: {  	[smem:$0x3F9B] =	sst lr;
	_ =	strace $0xD0000000  }
0x3: {  	_ = 	snop  }
0x4: {  	_ = 	snop  }
0x5: {  	_ = 	snop  }
0x6: {  	_ = 	snop  }
0x7: {  	_ = 	snop  }
__scs_overlays_trampoline_lowered:
0x8: {  	[smem:$0x3FAA] =	sst s0  }
0x9: {  	[smem:$0x3FAB] =	sst s1  }
0xa: {  	[smem:$0x3FAC] =	sst s2  }
0xb: {  	[smem:$0x3FAD] =	sst s3  }
0xc: {  	[smem:$0x3FAE] =	sst s4  }
0xd: {  	[smem:$0x3FAF] =	sst s5  }
0xe: {  	[smem:$0x3FB0] =	sst s6  }
0xf: {  	[smem:$0x3FB1] =	sst s7  }
0x10: {  	[smem:$0x3FB2] =	sst s8  }
0x11: {  	[smem:$0x3FB3] =	sst s9;
	s0 =	simm.s32 @!p0 $0x0  }
0x12: {  	s1 =	sld [smem:$0x3F99];
	s0 =	simm.s32 @p0 $0x1  }
0x13: {  	[smem:$0x3FB4] =	sst s0;
	s0 =	simm.s32 @!p1 $0x0  }
0x14: {  	s2 =	sld [smem:$0x3F98];
	s0 =	simm.s32 @p1 $0x1  }
0x15: {  	[smem:$0x3FB5] =	sst s0;
	s0 =	simm.s32 @!p2 $0x0  }
0x16: {  	s3 =	sld [smem:$0x3FDB];
	s0 =	simm.s32 @p2 $0x1  }
0x17: {  	s4 =	simm.s32 $0x1BF5;
	[smem:$0x3FB7] =	sst s0  }
0x18: {  	s0 =	sld [smem:$0x3F9A];
	_ =	swait.ge [sflag:s4], $0x0  }
0x19: {  	s7 =	sld [smem:$0x3F9B]  }
0x1a: {  	s8 =	sadd.s32 $0xFFFFE003, lr  }
0x1b: {  	s9 =	sadd.s32 $0xFFFFFEF7, lr;
	s5 =	simm.s32 $0xFFFFFFFF;
	p2 =	slt.u32 s8, $0xFFFFF086  }
0x1c: {  	p1 =	slt.u32 s9, $0xF7A;
	s5 =	simm.s32 @!p2 $0x0  }
0x1d: {  	s5 =	simm.s32 @p1 $0x1;
	p0 =	seq.s32 s7, s2  }
0x1e: {  	s7 =	smul.u32 @!p0 $0xF7A, s2;
	p2 =	seq.s32 @!p0 s5, $0x0  }
0x1f: {  	s9 =	smul.u32 $0xF7A, s1;
	s8 =	simm.s32 @!p0 $0x1BF5;
	p2 =	por !p2, p0  }
0x20: {  	[sflag:s8] =	ssyncset.s32 @!p0 $0xFFFFF086;
	s6 =	sadd.s32 @!p0 s3, s7;
	s7 =	simm.s32 @!p0 $0x108  }
0x21: {  	s3 =	sadd.s32 s3, s9;
	s6 =	sadd.s32 @!p0 $0x88, s6;
	s7 =	simm.s32 @p2 $0x1082  }
0x22: {  	[simem:s7], [sflag:s8] =	dma.local @!p0 [hbm:s6], $0xF7A  }
0x23: {  	s9 =	sor.u32 $0xD0000000, s2;
	s6 =	simm.s32 $0x108;
	_ =	swait.ge @!p0 [sflag:s8], $0x0  }
0x24: {  	s3 =	sadd.s32 $0x88, s3;
	s6 =	simm.s32 @!p1 $0x1082;
	[sflag:s4] =	ssyncset.s32 $0xFFFFF086  }
0x25: {  	[simem:s6], [sflag:s4] =	dma.local [hbm:s3], $0xF7A  }
0x26: {  	[smem:$0x3F9B] =	sst s1;
	(tag) =	ssettag s2;
	_ =	strace s9  }
0x27: {  	s1 =	sld [smem:$0x3FAB]  }
0x28: {  	s2 =	sld [smem:$0x3FAC]  }
0x29: {  	s4 =	sld [smem:$0x3FAE]  }
0x2a: {  	p0 =	seq.s32 s5, $0x0;
	s5 =	sld [smem:$0x3FAF]  }
0x2b: {  	s6 =	sld [smem:$0x3FB0]  }
0x2c: {  	s7 =	sld [smem:$0x3FB1]  }
0x2d: {  	s3 =	simm.s32 $0x108;
	s8 =	sld [smem:$0x3FB2]  }
0x2e: {  	s3 =	simm.s32 @!p0 $0x1082;
	s9 =	sld [smem:$0x3FB3]  }
0x2f: {  	lr =	sadd.s32 s0, s3;
	s0 =	sld [smem:$0x3FAA]  }
0x30: {  	s3 =	sld [smem:$0x3FAD]  }
0x31: {  	[smem:$0x3FB6] =	sst s10  }
0x32: {  	s10 =	sld [smem:$0x3FB4];
	_ =	sdelay $0x3  }
0x33: {  	p0 =	seq.s32 s10, $0x1;
	s10 =	sld [smem:$0x3FB6];
	_ =	sdelay $0x3  }
0x34: {  	[smem:$0x3FB6] =	sst s10  }
0x35: {  	s10 =	sld [smem:$0x3FB5];
	_ =	sdelay $0x3  }
0x36: {  	p1 =	seq.s32 s10, $0x1;
	s10 =	sld [smem:$0x3FB6];
	_ =	sdelay $0x3  }
0x37: {  	[smem:$0x3FB6] =	sst s10  }
0x38: {  	s10 =	sld [smem:$0x3FB7]  }
0x39: {  	_ = 	snop;
	(pc) =	sbr.ind lr, $3  }
0x3a: {  	_ = 	snop  }
0x3b: {  	_ = 	snop  }
0x3c: {  	p2 =	seq.s32 s10, $0x1;
	s10 =	sld [smem:$0x3FB6]  }
0x3d: {  	_ =	shalt  }
0x3e: {  	_ =	shalt  }
0x3f: {  	_ =	shalt  }
0x40: {  	_ =	shalt  }
0x41: {  	_ =	shalt  }
0x42: {  	_ =	shalt  }
0x43: {  	_ =	shalt  }
0x44: {  	_ =	shalt  }
0x45: {  	_ =	shalt  }
0x46: {  	_ =	shalt  }
0x47: {  	_ =	shalt  }
0x48: {  	_ =	shalt  }
0x49: {  	_ =	shalt  }
0x4a: {  	_ =	shalt  }
0x4b: {  	_ =	shalt  }
0x4c: {  	_ =	shalt  }
0x4d: {  	_ =	shalt  }
0x4e: {  	_ =	shalt  }
0x4f: {  	_ =	shalt  }
0x50: {  	_ =	shalt  }
0x51: {  	_ =	shalt  }
0x52: {  	_ =	shalt  }
0x53: {  	_ =	shalt  }
0x54: {  	_ =	shalt  }
0x55: {  	_ =	shalt  }
0x56: {  	_ =	shalt  }
0x57: {  	_ =	shalt  }
0x58: {  	_ =	shalt  }
0x59: {  	_ =	shalt  }
0x5a: {  	_ =	shalt  }
0x5b: {  	_ =	shalt  }
0x5c: {  	_ =	shalt  }
0x5d: {  	_ =	shalt  }
0x5e: {  	_ =	shalt  }
0x5f: {  	_ =	shalt  }
0x60: {  	_ =	shalt  }
0x61: {  	_ =	shalt  }
0x62: {  	_ =	shalt  }
0x63: {  	_ =	shalt  }
0x64: {  	_ =	shalt  }
0x65: {  	_ =	shalt  }
0x66: {  	_ =	shalt  }
0x67: {  	_ =	shalt  }
0x68: {  	_ =	shalt  }
0x69: {  	_ =	shalt  }
0x6a: {  	_ =	shalt  }
0x6b: {  	_ =	shalt  }
0x6c: {  	_ =	shalt  }
0x6d: {  	_ =	shalt  }
0x6e: {  	_ =	shalt  }
0x6f: {  	_ =	shalt  }
0x70: {  	_ =	shalt  }
0x71: {  	_ =	shalt  }
0x72: {  	_ =	shalt  }
0x73: {  	_ =	shalt  }
0x74: {  	_ =	shalt  }
0x75: {  	_ =	shalt  }
0x76: {  	_ =	shalt  }
0x77: {  	_ =	shalt  }
0x78: {  	_ =	shalt  }
0x79: {  	_ =	shalt  }
0x7a: {  	_ =	shalt  }
0x7b: {  	_ =	shalt  }
0x7c: {  	_ =	shalt  }
0x7d: {  	_ =	shalt  }
0x7e: {  	_ =	shalt  }
0x7f: {  	_ =	shalt  }
0x80: {  	_ =	shalt  }
0x81: {  	_ =	shalt  }
0x82: {  	_ =	shalt  }
0x83: {  	_ =	shalt  }
0x84: {  	_ =	shalt  }
0x85: {  	_ =	shalt  }
0x86: {  	_ =	shalt  }
0x87: {  	_ =	shalt  }
.Lfunc_end0:
.L_simem_size_0:
called_computation_lowered:
.L_overlay_start_0:
0x88: {  	s2 =	sld [smem:$0x3FD9]  }
0x89: {  	s3 =	sld [smem:$0x3FFE];
	_ =	sdelay $0x1  }
0x8a: {  	s1 =	srdreg.scid  }
0x8b: {  	s0 =	sand.u32 $0x1, s1  }
0x8c: {  	s17 =	sshll.u32 s0, $0xA;
	s2 =	sadd.s32 s3, s2  }
0x8d: {  	s2 =	sadd.s32 s2, s17  }
0x8e: {  	[smem:$0x3FC2] =	sst s2  }
0x8f: {  	_ = 	snop  }
0x90: {  	s2 =	sld [smem:$0x3FC9]  }
0x91: {  	s18 =	sld [smem:$0x3FC8]  }
0x92: {  	s4 =	sld [smem:$0x3FD0];
	(tm) =	ssettm $0x1  }
0x93: {  	s5 =	sld [smem:$0x3FFB];
	_ =	sdelay $0x3  }
0x94: {  	_ =	strace s5  }
0x95: {  	s5 =	sld [smem:$0x3FFC];
	_ =	sdelay $0x3  }
0x96: {  	_ =	strace s5  }
0x97: {  	s5 =	sld [smem:$0x3FFD];
	_ =	sdelay $0x3  }
0x98: {  	_ =	strace s5  }
0x99: {  	_ =	strace $0x8FFFFFFF  }
0x9a: {  	s19 =	sld [smem:$0x3FDB];
	_ =	sdelay $0x1  }
0x9b: {  	s6 =	simm.s32 $_scs_section_size  }
0x9c: {  	s7 =	simm.s32 $_size__tile_overlayer_lowered;
	s8 =	simm.s32 $_tile_overlayer_lowered  }
0x9d: {  	s22 =	simm.s32 $0x1BFF;
	s21 =	sshll.u32 s8, $0x1;
	s5 =	sadd.s32 s6, s19  }
0x9e: {  	s9 =	simm.s32 $0x0;
	s20 =	sshll.u32 s7, $0x1;
	s7 =	sadd.s32 s21, s5  }
0x9f: {  	[timem:s9], [sflag:s22] =	dma.local [hbm:s7], s20  }
0xa0: {  	_ =	swait.ge [sflag:s22], s20  }
0xa1: {  	s6 =	ssub.s32 $0x0, s20;
	[sflag:s22] =	ssyncset.done $0x0  }
0xa2: {  	[sflag:s22] =	ssyncadd.s32 s6;
	_ =	sdelay $0x1  }
0xa3: {  	s23 =	simm.s32 $0x1B8B  }
0xa4: {  	_ =	swait.ge [sflag:s23], $0x1  }
0xa5: {  	[sflag:s23] =	ssyncset.done $0x0  }
0xa6: {  	s25 =	simm.s32 $0x1B8E;
	s24 =	sld [smem:$0x3FFE];
	[sflag:s23] =	ssyncadd.s32 $0xFFFFFFFF  }
0xa7: {  	s26 =	simm.s32 $execute0_lowered;
	[smem:$0x3FD2] =	sst s25  }
0xa8: {  	s7 =	sshll.u32 s26, $0x1;
	_ =	strace $0x80000046;
	[dreg:$0x1] =	wrdreg $0xFFFFFFFF  }
0xa9: {  	s28 =	simm.s32 $_size_execute0_lowered;
	s5 =	sadd.s32 s5, s7;
	[dreg:$0x0] =	wrdreg $0x0  }
0xaa: {  	s7 =	sshll.u32 s28, $0x1;
	[dreg:$0x2] =	wrdreg s5  }
0xab: {  	[dreg:$0x3] =	wrdreg s7  }
0xac: {  	[dreg:$0x4] =	wrdreg $0xC0  }
0xad: {  	_ =	task [dreg:s9], $0x5FFFF  }
0xae: {  	[dreg:$0x1] =	wrdreg $0xFFFFFFFF  }
0xaf: {  	[dreg:$0x0] =	wrdreg $0x60  }
0xb0: {  	[dreg:$0x2] =	wrdreg s24  }
0xb1: {  	[dreg:$0x3] =	wrdreg s18  }
0xb2: {  	[dreg:$0x4] =	wrdreg s2  }
0xb3: {  	[dreg:$0x5] =	wrdreg s4  }
0xb4: {  	[dreg:$0x6] =	wrdreg $0x9  }
0xb5: {  	_ =	task.clear_ibuf [dreg:s9], $0x7FFFF;
	_ =	strace $0x90000046  }
0xb6: {  	s29 =	simm.s32 $0x9;
	_ =	strace $0x80000048  }
0xb7: {  	_ =	swait.ge [sflag:s29], $0x1  }
0xb8: {  	[sflag:s29] =	ssyncadd.s32 $0xFFFFFFFF  }
0xb9: {  	_ =	strace $0x90000048  }
0xba: {  	_ =	sfence  }
0xbb: {  	s30 =	sld [smem:$0x0];
	_ =	sdelay $0x2  }
0xbc: {  	s31 =	sshll.u32 s1, $0xD;
	s1 =	sshrl.u32 s1, $0x2  }
0xbd: {  	s3 =	sand.u32 $0x4000, s31;
	s1 =	sadd.s32 s1, s30  }
0xbe: {  	s0 =	sor.u32 s3, s0;
	s1 =	sshll.u32 s1, $0x11  }
0xbf: {  	s0 =	sor.u32 s1, s0  }
0xc0: {  	s0 =	sadd.s32 $0x8F2B, s0  }
0xc1: {  	[sflag:s0] =	ssyncadd.remote.s32 $0x1  }
0xc2: {  	_ =	sfence.sel $0xFFFF  }
0xc3: {  	[dreg:$0x0] =	wrdreg $0xFFFFFFFF;
	(pc) =	sbr.abs _section_cstart, $3  }
0xc4: {  	[dreg:$0x1] =	wrdreg $0xFFFFFFFF  }
0xc5: {  	_ =	task.clear_ibuf [dreg:s9], $0x2FFFF;
	_ =	strace $0x9FFFFFFF  }
0xc6: {  	(tm) =	ssettm $0x7FFFFFFF  }
0xc7: {  	_ =	shalt  }
tec
execute0_lowered:
.L_overlay_start_1:
0x0: {  	(tag) =	ssettag $0x1  }
0x1: {  	s0 =	rddreg [dreg:$0x0]  }
0x2: {  	s3 =	rddreg [dreg:$0x1]  }
0x3: {  	s5 =	rddreg [dreg:$0x2]  }
0x4: {  	s6 =	rddreg [dreg:$0x3];
	s8 =	srdreg.scid  }
0x5: {  	s1 =	simm.s32 $0x0;
	s2 =	stileid.u32;
	s28 =	simm.s32 $0x11680  }
0x6: {  	s29 =	simm.s32 $0x1;
	s30 =	simm.s32 $0x2;
	s31 =	simm.s32 $0x3  }
0x7: {  	s9 =	sand.u32 $0x1, s8;
	[smem:$0x7FF] =	sst s1;
	s25 =	sadd.s32 $0xA00, s0  }
0x8: {  	s7 =	sadd.s32 $0x3200, s0;
	s13 =	smul.u32 $0x9C40, s2;
	s26 =	sadd.s32 $0x600, s0  }
0x9: {  	p0 =	slt.u32 s2, $0x2;
	_ =	strace $0x80000047;
	[dreg:$0x5] =	wrdreg s25  }
0xa: {  	s22 =	sshrl.u32 s8, $0x2;
	s4 =	sshll.u32 s9, $0x4;
	[dreg:$0x6] =	wrdreg s7  }
0xb: {  	s11 =	ssub.s32 $0x2, s9;
	[dreg:$0x7] =	wrdreg s26;
	s7 =	sadd.s32 $0x3400, s0  }
0xc: {  	s0 =	sadd.s32 $0xA10, s0;
	s4 =	sor.u32 s2, s4;
	s12 =	sshrl.u32 s11, $0x1  }
0xd: {  	[dreg:$0xf] =	wrdreg s22;
	s10 =	smul.u32 $0x4E2, s4;
	s11 =	ssub.s32 s11, s12  }
0xe: {  	s19 =	sand.u32 $0x2, s8;
	[dreg:$0x8] =	wrdreg s0;
	s24 =	smax.u32 s11, $0x1  }
0xf: {  	s4 =	smul.u32 $0x2FAF080, s9;
	s14 =	sadd.s32 s3, s10;
	[dreg:$0x10] =	wrdreg s24  }
0x10: {  	s12 =	simm.s32 $0x4F;
	s16 =	sadd.s32 s5, s10;
	[dreg:$0x9] =	wrdreg s14  }
0x11: {  	s12 =	simm.s32 @!p0 $0x4E;
	s17 =	sadd.s32 s6, s10;
	[dreg:$0xa] =	wrdreg s16  }
0x12: {  	p0 =	sne.s32 s2, $0x0;
	s15 =	sadd.s32 s13, s4;
	[dreg:$0xb] =	wrdreg s17  }
0x13: {  	s18 =	sshrl.u32 s15, $0x3;
	s23 =	sadd.s32 $0x271000, s15;
	s25 =	sadd.s32 $0xBFA680, s15  }
0x14: {  	s26 =	sadd.s32 $0x1583D00, s15;
	s0 =	sadd.s32 $0x1F0D380, s15;
	s13 =	sadd.s32 s7, s18  }
0x15: {  	s5 =	sshrl.u32 s23, $0x3;
	s6 =	sshrl.u32 s25, $0x3;
	s0 =	sshrl.u32 s0, $0x3  }
0x16: {  	s3 =	sadd.s32 $0x13880, s13;
	s20 =	sadd.s32 $0x27100, s13;
	s21 =	sadd.s32 $0x3A980, s13  }
0x17: {  	s17 =	sadd.s32 s5, s7;
	s5 =	sshrl.u32 s26, $0x3;
	[dreg:$0xc] =	wrdreg s3  }
0x18: {  	s22 =	sadd.s32 s0, s7;
	s26 =	simm.s32 $0x2780;
	[dreg:$0xd] =	wrdreg s20  }
0x19: {  	s0 =	simm.s32 $0x7D0;
	[dreg:$0xe] =	wrdreg s21;
	s3 =	ssub.s32 s19, s9  }
0x1a: {  	s20 =	sadd.s32 s6, s7;
	s21 =	sadd.s32 s5, s7;
	s3 =	sadd.s32 $0x5, s3  }
0x1b: {  	v0 =	vimm.f32 $-1.000000000e+09;
	s5 =	simm.s32 $0x0;
	s25 =	sshll.u32 @!p0 s3, $0xE;
	s3 =	simm.s32 $0x4  }
.LBB2_1:
0x1c: {  	s6 =	rddreg [dreg:$0x5]  }
0x1d: {  	s8 =	simm.s32 $0x80;
	s9 =	simm.s32 $0x400;
	s24 =	rddreg [dreg:$0x8]  }
0x1e: {  	[tilespmem:s1], [sflag:$0x1] =	stream.strided.gather [hbm4b:s6+s8], $0x2780, s9, s8, $0x38;
	[tilespmem:$0x1B300] =	vst v63  }
0x1f: {  	s11 =	rddreg [dreg:$0x7]  }
0x20: {  	[tilespmem:s26], [sflag:$0x1] =	stream.strided.gather [hbm4b:s24+s8], $0x2780, s9, s8, $0x38;
	[tilespmem:$0x1B300] =	vst v63  }
0x21: {  	s10 =	simm.s32 $0x11580;
	s9 =	rddreg [dreg:$0x6]  }
0x22: {  	[tilespmem:s10], [sflag:$0x1] =	stream.linear.gather [hbm4b:s9+s1], $0x80, $0x38;
	[tilespmem:$0x1B300] =	vst v63  }
0x23: {  	s14 =	simm.s32 $0x11600;
	s15 =	rddreg [dreg:$0x9]  }
0x24: {  	[tilespmem:s14], [sflag:$0x1] =	stream.linear.gather [hbm4b:s11+s1], $0x80, $0x38;
	[tilespmem:$0x1B300] =	vst v63  }
0x25: {  	s16 =	simm.s32 $0x4F00;
	s18 =	rddreg [dreg:$0xa]  }
0x26: {  	[tilespmem:s16], [sflag:$0x2] =	stream.linear.gather [hbm4b:s15+s1], $0x2710, $0x38;
	[tilespmem:$0x1B300] =	vst v63  }
0x27: {  	s19 =	simm.s32 $0x7680;
	s23 =	rddreg [dreg:$0xb]  }
0x28: {  	[tilespmem:s19], [sflag:$0x2] =	stream.linear.gather [hbm4b:s18+s1], $0x2710, $0x38;
	[tilespmem:$0x1B300] =	vst v63  }
0x29: {  	s6 =	simm.s32 $0x40;
	s24 =	simm.s32 $0x9E00;
	s8 =	simm.s32 $0x0  }
0x2a: {  	[tilespmem:s24], [sflag:$0x2] =	stream.linear.gather [hbm4b:s23+s1], $0x2710, $0x38;
	[tilespmem:$0x1B300] =	vst v63  }
.LBB2_2:
0x2b: {  	p1 =	sne.s32 s6, $0x270C0;
	[tilespmem:s8+$0x11680] =	vst v0;
	s8 =	smov.u32 s6;
	s6 =	sadd.s32 $0x40, s6  }
.Ltmp0:
0x2c: {  	(pc) =	sbr.rel @p1 .LBB2_2-.Ltmp0, $2  }
0x2d: {  	_ =	sdelay $0x2  }
0x2e: {  	s8 =	sshra.s32 s8, $0x2  }
0x2f: {  	[tilespmem:s8+$0x11680] =	vst v0;
	s6 =	simm.s32 $0x0  }
0x30: {  	[hbm4b:s13+s6] =	stream.linear.scatter [tilespmem:s28], [sflag:$0x3], $0x9C40, $0x38;
	[tilespmem:$0x1B300] =	vst v63  }
0x31: {  	s15 =	rddreg [dreg:$0xc]  }
0x32: {  	[hbm4b:s15+s6] =	stream.linear.scatter [tilespmem:s28], [sflag:$0x3], $0x9C40, $0x38;
	[tilespmem:$0x1B300] =	vst v63  }
0x33: {  	s16 =	rddreg [dreg:$0xd]  }
0x34: {  	[hbm4b:s16+s6] =	stream.linear.scatter [tilespmem:s28], [sflag:$0x3], $0x9C40, $0x38;
	[tilespmem:$0x1B300] =	vst v63  }
0x35: {  	s18 =	rddreg [dreg:$0xe]  }
0x36: {  	[hbm4b:s18+s6] =	stream.linear.scatter [tilespmem:s28], [sflag:$0x3], $0x9C40, $0x38;
	[tilespmem:$0x1B300] =	vst v63  }
0x37: {  	_ =	swait.ge [sflag:s29], $0x2780  }
0x38: {  	[sflag:s29] =	ssyncset.done $0x0  }
0x39: {  	[sflag:s29] =	ssyncadd.s32 $0xFFFFD880  }
0x3a: {  	_ =	swait.ge [sflag:s29], $0x2780  }
0x3b: {  	[sflag:s29] =	ssyncset.done $0x0  }
0x3c: {  	[sflag:s29] =	ssyncadd.s32 $0xFFFFD880  }
0x3d: {  	_ =	swait.ge [sflag:s29], $0x80  }
0x3e: {  	[sflag:s29] =	ssyncset.done $0x0  }
0x3f: {  	[sflag:s29] =	ssyncadd.s32 $0xFFFFFF80  }
0x40: {  	_ =	swait.ge [sflag:s29], $0x80  }
0x41: {  	[sflag:s29] =	ssyncset.done $0x0  }
0x42: {  	[sflag:s29] =	ssyncadd.s32 $0xFFFFFF80  }
0x43: {  	_ =	swait.ge [sflag:s30], $0x2710  }
0x44: {  	[sflag:s30] =	ssyncset.done $0x0  }
0x45: {  	[sflag:s30] =	ssyncadd.s32 $0xFFFFD8F0  }
0x46: {  	_ =	swait.ge [sflag:s30], $0x2710  }
0x47: {  	[sflag:s30] =	ssyncset.done $0x0  }
0x48: {  	[sflag:s30] =	ssyncadd.s32 $0xFFFFD8F0  }
0x49: {  	_ =	swait.ge [sflag:s30], $0x2710  }
0x4a: {  	s19 =	sand.u32 $0x7, s6;
	[sflag:s30] =	ssyncset.done $0x0  }
0x4b: {  	p1 =	sne.s32 s19, $0x0;
	[sflag:s30] =	ssyncadd.s32 $0xFFFFD8F0  }
0x4c: {  	s8 =	simm.s32 @!p1 $0x3;
	v2 =	vld [tilespmem:$0x11580]  }
0x4d: {  	v1 =	vld [tilespmem:$0x11600];
	_ =	swait.ge @!p1 [sflag:s8], $0x9C40  }
0x4e: {  	s9 =	simm.s32 $0x4F00;
	[sflag:s8] =	ssyncset.done @!p1 $0x0  }
0x4f: {  	s10 =	simm.s32 @!p1 $0x11680;
	[sflag:s8] =	ssyncadd.s32 @!p1 $0xFFFF63C0;
	s8 =	simm.s32 @!p1 $0x0  }
0x50: {  	[hbm4b:s17+s8] =	stream.linear.scatter @!p1 [tilespmem:s10], [sflag:$0x3], $0x9C40, $0x38;
	[tilespmem:$0x1B300] =	vst v63  }
0x51: {  	s23 =	simm.s32 $0x7680;
	v3 =	vld [tilespmem:s9+$0x0]  }
0x52: {  	v4 =	vld [tilespmem:s23+$0x0];
	_ =	sdelay $0x4  }
0x53: {  	s24 =	simm.s32 $0x9E00  }
0x54: {  	v5 =	vld [tilespmem:s24+$0x0]  }
0x55: {  	v6 =	vld.idx.msk [tilespmem:v3+s6+$0x0], $0xffff  }
0x56: {  	v7 =	vld.idx.msk [tilespmem:v4+s26+$0x0], $0xffff;
	_ =	sdelay $0x4  }
0x57: {  	v5 =	vmul.f32 v5, v2;
	v6 =	vadd.f32 v7, v6  }
0x58: {  	s14 =	simm.s32 $0xC580;
	s11 =	simm.s32 $0xED80;
	v3 =	vmul.u32 $0x2710, v3  }
0x59: {  	s19 =	smov.u32 s17;
	s15 =	simm.s32 $0x1;
	s16 =	simm.s32 $0x2;
	v5 =	vadd.f32 v6, v5  }
0x5a: {  	s10 =	simm.s32 $0x9E10;
	s8 =	simm.s32 $0xED90;
	s9 =	simm.s32 $0xC590;
	v3 =	vadd.s32 v4, v3  }
0x5b: {  	s23 =	sand.u32 $0x7, s15;
	s15 =	simm.s32 $0x7690;
	[tilespmem:s14+$0x0] =	vst v3;
	s14 =	simm.s32 $0x4F10;
	v3 =	vadd.f32 v5, v1  }
.LBB2_4:
0x5c: {  	p2 =	sne.s32 s23, $0x0  }
0x5d: {  	s19 =	sadd.s32 $0x2710, s19;
	s23 =	smov.u32 s16;
	s16 =	sadd.s32 $0x1, s16  }
0x5e: {  	p1 =	sne.s32 s16, $0x7D;
	s18 =	simm.s32 @!p2 $0x3;
	[tilespmem:s11+$0x0] =	vst v3;
	s11 =	smov.u32 s8  }
0x5f: {  	_ =	swait.ge @!p2 [sflag:s18], $0x9C40  }
0x60: {  	[sflag:s18] =	ssyncset.done @!p2 $0x0  }
0x61: {  	s24 =	simm.s32 @!p2 $0x11680;
	[sflag:s18] =	ssyncadd.s32 @!p2 $0xFFFF63C0;
	s18 =	simm.s32 @!p2 $0x0  }
0x62: {  	[hbm4b:s19+s18] =	stream.linear.scatter @!p2 [tilespmem:s24], [sflag:$0x3], $0x9C40, $0x38;
	[tilespmem:$0x1B300] =	vst v63  }
0x63: {  	v3 =	vld [tilespmem:s14+$0x0]  }
0x64: {  	v4 =	vld [tilespmem:s15+$0x0]  }
0x65: {  	v5 =	vld [tilespmem:s10+$0x0];
	_ =	sdelay $0x2  }
0x66: {  	v6 =	vmul.u32 $0x2710, v3;
	_ =	sdelay $0x1  }
0x67: {  	v6 =	vadd.s32 v4, v6  }
0x68: {  	v3 =	vld.idx.msk [tilespmem:v3+s6+$0x0], $0xffff  }
0x69: {  	v4 =	vld.idx.msk [tilespmem:v4+s26+$0x0], $0xffff  }
0x6a: {  	[tilespmem:s9+$0x0] =	vst v6;
	_ =	sdelay $0x3  }
0x6b: {  	v5 =	vmul.f32 v5, v2  }
.Ltmp1:
0x6c: {  	v3 =	vadd.f32 v4, v3;
	(pc) =	sbr.rel @p1 .LBB2_4-.Ltmp1, $4  }
0x6d: {  	_ = 	snop  }
0x6e: {  	v3 =	vadd.f32 v3, v5  }
0x6f: {  	s8 =	sadd.s32 $0x10, s8;
	s10 =	sadd.s32 $0x10, s10;
	s9 =	sadd.s32 $0x10, s9  }
0x70: {  	s23 =	sand.u32 $0x7, s23;
	s14 =	sadd.s32 $0x10, s14;
	s15 =	sadd.s32 $0x10, s15;
	v3 =	vadd.f32 v3, v1  }
0x71: {  	p1 =	sne.s32 s23, $0x0  }
0x72: {  	s16 =	simm.s32 @!p1 $0x3;
	[tilespmem:s11+$0x0] =	vst v3  }
0x73: {  	_ =	swait.ge @!p1 [sflag:s16], $0x9C40  }
0x74: {  	s11 =	sadd.s32 $0x2710, s19;
	[sflag:s16] =	ssyncset.done @!p1 $0x0  }
0x75: {  	s18 =	simm.s32 @!p1 $0x11680;
	[sflag:s16] =	ssyncadd.s32 @!p1 $0xFFFF63C0;
	s16 =	simm.s32 @!p1 $0x0  }
0x76: {  	[hbm4b:s11+s16] =	stream.linear.scatter @!p1 [tilespmem:s18], [sflag:$0x3], $0x9C40, $0x38;
	[tilespmem:$0x1B300] =	vst v63  }
0x77: {  	v3 =	vld [tilespmem:s14+$0x0]  }
0x78: {  	v4 =	vld [tilespmem:s15+$0x0];
	_ =	sdelay $0x5  }
0x79: {  	v5 =	vld [tilespmem:s10+$0x0]  }
0x7a: {  	v6 =	vld.idx.msk [tilespmem:v3+s6+$0x0], $0xffff  }
0x7b: {  	v7 =	vld.idx.msk [tilespmem:v4+s26+$0x0], $0xffff;
	_ =	sdelay $0x4  }
0x7c: {  	v5 =	vmul.f32 v5, v2;
	v6 =	vadd.f32 v7, v6;
	_ =	sdelay $0x1  }
0x7d: {  	v3 =	vmul.u32 $0x2710, v3;
	v5 =	vadd.f32 v6, v5  }
0x7e: {  	s24 =	simm.s32 $0x7D  }
0x7f: {  	s6 =	sand.u32 $0x7, s24;
	v3 =	vadd.s32 v4, v3;
	v4 =	vadd.f32 v5, v1  }
0x80: {  	p1 =	sne.s32 s6, $0x0;
	[tilespmem:s9+$0x0] =	vst v3  }
0x81: {  	[tilespmem:s8+$0x0] =	vst v4;
	s8 =	simm.s32 @!p1 $0x3  }
0x82: {  	_ =	swait.ge @!p1 [sflag:s8], $0x9C40  }
0x83: {  	s6 =	simm.s32 $0x0;
	[sflag:s8] =	ssyncset.done @!p1 $0x0  }
0x84: {  	s9 =	simm.s32 @!p1 $0x11680;
	[sflag:s8] =	ssyncadd.s32 @!p1 $0xFFFF63C0;
	s8 =	simm.s32 @!p1 $0x0  }
0x85: {  	[hbm4b:s20+s8] =	stream.linear.scatter @!p1 [tilespmem:s9], [sflag:$0x3], $0x9C40, $0x38;
	[tilespmem:$0x1B300] =	vst v63  }
0x86: {  	v3 =	vld [tilespmem:s6+$0x56D0]  }
0x87: {  	v4 =	vld [tilespmem:s6+$0x7E50];
	_ =	sdelay $0x5  }
0x88: {  	s8 =	simm.s32 $0x0;
	v5 =	vld [tilespmem:s6+$0xA5D0]  }
0x89: {  	v62 =	vld.idx.msk [tilespmem:v3+s8+$0x0], $0xffff  }
0x8a: {  	v63 =	vld.idx.msk [tilespmem:v4+s26+$0x0], $0xffff;
	_ =	sdelay $0x4  }
0x8b: {  	v5 =	vmul.f32 v5, v2;
	v6 =	vadd.f32 v63, v62  }
0x8c: {  	v3 =	vmul.u32 $0x2710, v3  }
0x8d: {  	v5 =	vadd.f32 v6, v5  }
0x8e: {  	s11 =	smov.u32 s20;
	s10 =	simm.s32 $0x7E;
	v3 =	vadd.s32 v4, v3  }
0x8f: {  	s14 =	simm.s32 $0x80;
	s15 =	sand.u32 $0x7, s10;
	s9 =	simm.s32 $0x40;
	[tilespmem:s6+$0xCD80] =	vst v3;
	v3 =	vadd.f32 v5, v1  }
.LBB2_6:
0x90: {  	p2 =	sne.s32 s15, $0x0  }
0x91: {  	s11 =	sadd.s32 $0x2710, s11;
	s15 =	smov.u32 s14;
	s14 =	sadd.s32 $0x40, s14  }
0x92: {  	p1 =	sne.s32 s14, $0x1F40;
	s16 =	simm.s32 @!p2 $0x3;
	[tilespmem:s6+$0xF580] =	vst v3  }
0x93: {  	_ =	swait.ge @!p2 [sflag:s16], $0x9C40  }
0x94: {  	s6 =	sshra.s32 s9, $0x2;
	s9 =	smov.u32 s15;
	[sflag:s16] =	ssyncset.done @!p2 $0x0  }
0x95: {  	s15 =	simm.s32 @!p2 $0x0;
	[sflag:s16] =	ssyncadd.s32 @!p2 $0xFFFF63C0;
	s16 =	simm.s32 @!p2 $0x11680  }
0x96: {  	[hbm4b:s11+s15] =	stream.linear.scatter @!p2 [tilespmem:s16], [sflag:$0x3], $0x9C40, $0x38;
	[tilespmem:$0x1B300] =	vst v63  }
0x97: {  	v3 =	vld [tilespmem:s6+$0x56D0]  }
0x98: {  	v4 =	vld [tilespmem:s6+$0x7E50]  }
0x99: {  	v5 =	vld [tilespmem:s6+$0xA5D0];
	_ =	sdelay $0x2  }
0x9a: {  	v6 =	vmul.u32 $0x2710, v3;
	_ =	sdelay $0x1  }
0x9b: {  	v6 =	vadd.s32 v4, v6  }
0x9c: {  	v3 =	vld.idx.msk [tilespmem:v3+s8+$0x0], $0xffff  }
0x9d: {  	v4 =	vld.idx.msk [tilespmem:v4+s26+$0x0], $0xffff  }
0x9e: {  	[tilespmem:s6+$0xCD80] =	vst v6;
	_ =	sdelay $0x3  }
0x9f: {  	v5 =	vmul.f32 v5, v2  }
.Ltmp2:
0xa0: {  	v3 =	vadd.f32 v4, v3;
	(pc) =	sbr.rel @p1 .LBB2_6-.Ltmp2, $4  }
0xa1: {  	_ = 	snop  }
0xa2: {  	v3 =	vadd.f32 v3, v5  }
0xa3: {  	s10 =	sadd.s32 $0x1, s10  }
0xa4: {  	s15 =	sand.u32 $0x7, s10;
	v3 =	vadd.f32 v3, v1  }
0xa5: {  	p1 =	sne.s32 s15, $0x0  }
0xa6: {  	s8 =	simm.s32 @!p1 $0x3;
	[tilespmem:s6+$0xF580] =	vst v3  }
0xa7: {  	_ =	swait.ge @!p1 [sflag:s8], $0x9C40  }
0xa8: {  	s9 =	sshra.s32 s9, $0x2;
	s6 =	sadd.s32 $0x2710, s11;
	[sflag:s8] =	ssyncset.done @!p1 $0x0  }
0xa9: {  	s10 =	simm.s32 @!p1 $0x11680;
	[sflag:s8] =	ssyncadd.s32 @!p1 $0xFFFF63C0;
	s8 =	simm.s32 @!p1 $0x0  }
0xaa: {  	[hbm4b:s6+s8] =	stream.linear.scatter @!p1 [tilespmem:s10], [sflag:$0x3], $0x9C40, $0x38;
	[tilespmem:$0x1B300] =	vst v63  }
0xab: {  	v3 =	vld [tilespmem:s9+$0x56D0]  }
0xac: {  	v4 =	vld [tilespmem:s9+$0x7E50];
	_ =	sdelay $0x5  }
0xad: {  	s8 =	simm.s32 $0x0;
	v5 =	vld [tilespmem:s9+$0xA5D0]  }
0xae: {  	v6 =	vld.idx.msk [tilespmem:v3+s8+$0x0], $0xffff  }
0xaf: {  	v7 =	vld.idx.msk [tilespmem:v4+s26+$0x0], $0xffff;
	_ =	sdelay $0x4  }
0xb0: {  	v5 =	vmul.f32 v5, v2;
	v6 =	vadd.f32 v7, v6  }
0xb1: {  	p2 =	por $0x1, $0x1  }
.Ltmp3:
0xb2: {  	v3 =	vmul.u32 $0x2710, v3;
	v5 =	vadd.f32 v6, v5;
	(pc) =	sbr.rel @!p2 .LBB2_8-.Ltmp3, $4  }
0xb3: {  	_ = 	snop  }
0xb4: {  	v3 =	vadd.s32 v4, v3;
	v63 =	vadd.f32 v5, v1  }
0xb5: {  	s24 =	simm.s32 $0xFA;
	[tilespmem:s9+$0xCD80] =	vst v3  }
0xb6: {  	s16 =	sand.u32 $0x7, s24;
	s6 =	simm.s32 $0x40;
	p1 =	por $0x0, $0x0;
	[tilespmem:s9+$0xF580] =	vst v63  }
0xb7: {  	p3 =	sne.s32 s16, $0x0  }
0xb8: {  	s10 =	simm.s32 @!p3 $0x3  }
0xb9: {  	_ =	swait.ge @!p3 [sflag:s10], $0x9C40  }
0xba: {  	s9 =	simm.s32 $0x0;
	[sflag:s10] =	ssyncset.done @!p3 $0x0  }
0xbb: {  	s11 =	simm.s32 @!p3 $0x11680;
	[sflag:s10] =	ssyncadd.s32 @!p3 $0xFFFF63C0;
	s10 =	simm.s32 @!p3 $0x0  }
0xbc: {  	[hbm4b:s21+s10] =	stream.linear.scatter @!p3 [tilespmem:s11], [sflag:$0x3], $0x9C40, $0x38;
	[tilespmem:$0x1B300] =	vst v63  }
0xbd: {  	v3 =	vld [tilespmem:s9+$0x5EA0]  }
0xbe: {  	v4 =	vld [tilespmem:s9+$0x8620];
	_ =	sdelay $0x5  }
0xbf: {  	v5 =	vld [tilespmem:s9+$0xADA0]  }
0xc0: {  	v6 =	vld.idx.msk [tilespmem:v3+s8+$0x0], $0xffff  }
0xc1: {  	v7 =	vld.idx.msk [tilespmem:v4+s26+$0x0], $0xffff;
	_ =	sdelay $0x3  }
0xc2: {  	p4 =	por $0x1, $0x1  }
.Ltmp4:
0xc3: {  	v5 =	vmul.f32 v5, v2;
	v6 =	vadd.f32 v7, v6;
	(pc) =	sbr.rel @!p4 .LBB2_10-.Ltmp4, $4  }
0xc4: {  	v3 =	vmul.u32 $0x2710, v3  }
0xc5: {  	s15 =	simm.s32 $0xFB;
	v5 =	vadd.f32 v6, v5  }
0xc6: {  	s14 =	simm.s32 $0x80;
	s16 =	sand.u32 $0x7, s15;
	v3 =	vadd.s32 v4, v3  }
0xc7: {  	p3 =	por $0x1, $0x1;
	s10 =	smov.u32 s21;
	s11 =	simm.s32 $0x40;
	[tilespmem:s9+$0xD580] =	vst v3;
	v3 =	vadd.f32 v5, v1  }
.LBB2_11:
0xc8: {  	p5 =	sne.s32 s16, $0x0  }
0xc9: {  	s10 =	sadd.s32 $0x2710, s10;
	s16 =	smov.u32 s14;
	s14 =	sadd.s32 $0x40, s14  }
0xca: {  	p4 =	sne.s32 s14, $0x1F40;
	s18 =	simm.s32 @!p5 $0x3;
	[tilespmem:s9+$0xFD80] =	vst v3  }
0xcb: {  	_ =	swait.ge @!p5 [sflag:s18], $0x9C40  }
0xcc: {  	s9 =	sshra.s32 s11, $0x2;
	s11 =	smov.u32 s16;
	[sflag:s18] =	ssyncset.done @!p5 $0x0  }
0xcd: {  	s16 =	simm.s32 @!p5 $0x0;
	[sflag:s18] =	ssyncadd.s32 @!p5 $0xFFFF63C0;
	s18 =	simm.s32 @!p5 $0x11680  }
0xce: {  	[hbm4b:s10+s16] =	stream.linear.scatter @!p5 [tilespmem:s18], [sflag:$0x3], $0x9C40, $0x38;
	[tilespmem:$0x1B300] =	vst v63  }
0xcf: {  	v3 =	vld [tilespmem:s9+$0x5EA0]  }
0xd0: {  	v4 =	vld [tilespmem:s9+$0x8620]  }
0xd1: {  	v5 =	vld [tilespmem:s9+$0xADA0];
	_ =	sdelay $0x2  }
0xd2: {  	v6 =	vmul.u32 $0x2710, v3;
	_ =	sdelay $0x1  }
0xd3: {  	v6 =	vadd.s32 v4, v6  }
0xd4: {  	v3 =	vld.idx.msk [tilespmem:v3+s8+$0x0], $0xffff  }
0xd5: {  	v4 =	vld.idx.msk [tilespmem:v4+s26+$0x0], $0xffff  }
0xd6: {  	[tilespmem:s9+$0xD580] =	vst v6;
	_ =	sdelay $0x3  }
0xd7: {  	v5 =	vmul.f32 v5, v2  }
.Ltmp5:
0xd8: {  	v3 =	vadd.f32 v4, v3;
	(pc) =	sbr.rel @p4 .LBB2_11-.Ltmp5, $4  }
0xd9: {  	_ = 	snop  }
0xda: {  	v3 =	vadd.f32 v3, v5  }
0xdb: {  	s15 =	sadd.s32 $0x1, s15  }
0xdc: {  	s16 =	sand.u32 $0x7, s15;
	v3 =	vadd.f32 v3, v1  }
.LBB2_12:
0xdd: {  	p4 =	sne.s32 s16, $0x0  }
0xde: {  	s14 =	simm.s32 @!p4 $0x3;
	[tilespmem:s9+$0xFD80] =	vst @p3 v3  }
0xdf: {  	s23 =	sshra.s32 s11, $0x2;
	s11 =	smov.u32 s21;
	_ =	swait.ge @!p4 [sflag:s14], $0x9C40  }
0xe0: {  	s9 =	sadd.s32 @p3 $0x2710, s10;
	s15 =	simm.s32 @!p4 $0x11680;
	[sflag:s14] =	ssyncset.done @!p4 $0x0  }
0xe1: {  	s11 =	smov.u32 @p3 s9;
	[sflag:s14] =	ssyncadd.s32 @!p4 $0xFFFF63C0;
	s14 =	simm.s32 @!p4 $0x0  }
0xe2: {  	[hbm4b:s11+s14] =	stream.linear.scatter @!p4 [tilespmem:s15], [sflag:$0x3], $0x9C40, $0x38;
	[tilespmem:$0x1B300] =	vst v63  }
0xe3: {  	v3 =	vld [tilespmem:s23+$0x5EA0]  }
0xe4: {  	v4 =	vld [tilespmem:s23+$0x8620];
	_ =	sdelay $0x5  }
0xe5: {  	v5 =	vld [tilespmem:s23+$0xADA0]  }
0xe6: {  	v6 =	vld.idx.msk [tilespmem:v3+s8+$0x0], $0xffff  }
0xe7: {  	v7 =	vld.idx.msk [tilespmem:v4+s26+$0x0], $0xffff;
	_ =	sdelay $0x4  }
0xe8: {  	v5 =	vmul.f32 v5, v2;
	v6 =	vadd.f32 v7, v6;
	_ =	sdelay $0x1  }
.Ltmp6:
0xe9: {  	v3 =	vmul.u32 $0x2710, v3;
	v5 =	vadd.f32 v6, v5;
	(pc) =	sbr.rel @!p2 .LBB2_13-.Ltmp6, $4  }
0xea: {  	_ = 	snop  }
0xeb: {  	v3 =	vadd.s32 v4, v3;
	v63 =	vadd.f32 v5, v1  }
0xec: {  	s24 =	simm.s32 $0x177;
	[tilespmem:s23+$0xD580] =	vst v3  }
0xed: {  	s14 =	sand.u32 $0x7, s24;
	[tilespmem:s23+$0xFD80] =	vst v63  }
0xee: {  	p1 =	sne.s32 s14, $0x0  }
0xef: {  	s8 =	simm.s32 @!p1 $0x3  }
0xf0: {  	_ =	swait.ge @!p1 [sflag:s8], $0x9C40  }
0xf1: {  	s9 =	simm.s32 $0x0;
	[sflag:s8] =	ssyncset.done @!p1 $0x0  }
0xf2: {  	s10 =	simm.s32 @!p1 $0x11680;
	[sflag:s8] =	ssyncadd.s32 @!p1 $0xFFFF63C0;
	s8 =	simm.s32 @!p1 $0x0  }
0xf3: {  	[hbm4b:s22+s8] =	stream.linear.scatter @!p1 [tilespmem:s10], [sflag:$0x3], $0x9C40, $0x38;
	[tilespmem:$0x1B300] =	vst v63  }
0xf4: {  	v3 =	vld [tilespmem:s9+$0x6670]  }
0xf5: {  	v4 =	vld [tilespmem:s9+$0x8DF0];
	_ =	sdelay $0x5  }
0xf6: {  	v5 =	vld [tilespmem:s9+$0xB570]  }
0xf7: {  	v6 =	vld.idx.msk [tilespmem:v3+s1+$0x0], $0xffff  }
0xf8: {  	v7 =	vld.idx.msk [tilespmem:v4+s26+$0x0], $0xffff;
	_ =	sdelay $0x3  }
0xf9: {  	p2 =	por $0x1, $0x1  }
.Ltmp7:
0xfa: {  	v5 =	vmul.f32 v5, v2;
	v6 =	vadd.f32 v7, v6;
	(pc) =	sbr.rel @!p2 .LBB2_15-.Ltmp7, $4  }
0xfb: {  	v3 =	vmul.u32 $0x2710, v3  }
0xfc: {  	v5 =	vadd.f32 v6, v5  }
0xfd: {  	s11 =	simm.s32 $0x80;
	s8 =	simm.s32 $0x178;
	v3 =	vadd.s32 v4, v3  }
0xfe: {  	p1 =	por $0x1, $0x1;
	s10 =	smov.u32 s22;
	s14 =	sand.u32 $0x7, s8;
	[tilespmem:s9+$0xDD80] =	vst v3;
	v3 =	vadd.f32 v5, v1  }
.LBB2_16:
0xff: {  	p3 =	sne.s32 s14, $0x0  }
0x100: {  	s10 =	sadd.s32 $0x2710, s10;
	s14 =	smov.u32 s11;
	s11 =	sadd.s32 $0x40, s11  }
0x101: {  	p2 =	sne.s32 s11, $0x1F40;
	s15 =	simm.s32 @!p3 $0x3;
	[tilespmem:s9+$0x10580] =	vst v3  }
0x102: {  	_ =	swait.ge @!p3 [sflag:s15], $0x9C40  }
0x103: {  	s9 =	sshra.s32 s6, $0x2;
	s6 =	smov.u32 s14;
	[sflag:s15] =	ssyncset.done @!p3 $0x0  }
0x104: {  	s14 =	simm.s32 @!p3 $0x0;
	[sflag:s15] =	ssyncadd.s32 @!p3 $0xFFFF63C0;
	s15 =	simm.s32 @!p3 $0x11680  }
0x105: {  	[hbm4b:s10+s14] =	stream.linear.scatter @!p3 [tilespmem:s15], [sflag:$0x3], $0x9C40, $0x38;
	[tilespmem:$0x1B300] =	vst v63  }
0x106: {  	v3 =	vld [tilespmem:s9+$0x6670]  }
0x107: {  	v4 =	vld [tilespmem:s9+$0x8DF0]  }
0x108: {  	v5 =	vld [tilespmem:s9+$0xB570];
	_ =	sdelay $0x2  }
0x109: {  	v6 =	vmul.u32 $0x2710, v3;
	_ =	sdelay $0x1  }
0x10a: {  	v6 =	vadd.s32 v4, v6  }
0x10b: {  	v3 =	vld.idx.msk [tilespmem:v3+s1+$0x0], $0xffff  }
0x10c: {  	v4 =	vld.idx.msk [tilespmem:v4+s26+$0x0], $0xffff  }
0x10d: {  	[tilespmem:s9+$0xDD80] =	vst v6;
	_ =	sdelay $0x3  }
0x10e: {  	v5 =	vmul.f32 v5, v2  }
.Ltmp8:
0x10f: {  	v3 =	vadd.f32 v4, v3;
	(pc) =	sbr.rel @p2 .LBB2_16-.Ltmp8, $4  }
0x110: {  	_ = 	snop  }
0x111: {  	v3 =	vadd.f32 v3, v5  }
0x112: {  	s8 =	sadd.s32 $0x1, s8  }
0x113: {  	s14 =	sand.u32 $0x7, s8;
	v3 =	vadd.f32 v3, v1  }
0x114: {  	s8 =	smov.u32 s6  }
.LBB2_18:
0x115: {  	p2 =	sne.s32 s14, $0x0  }
0x116: {  	[tilespmem:s9+$0x10580] =	vst @p1 v3;
	s6 =	simm.s32 @!p2 $0x3  }
0x117: {  	_ =	swait.ge @!p2 [sflag:s6], $0x9C40  }
0x118: {  	s9 =	sadd.s32 @p1 $0x2710, s10;
	[sflag:s6] =	ssyncset.done @!p2 $0x0  }
0x119: {  	s8 =	sshra.s32 s8, $0x2;
	[sflag:s6] =	ssyncadd.s32 @!p2 $0xFFFF63C0;
	s6 =	smov.u32 s22  }
0x11a: {  	s10 =	simm.s32 @!p2 $0x0;
	s11 =	simm.s32 @!p2 $0x11680;
	s6 =	smov.u32 @p1 s9  }
0x11b: {  	[hbm4b:s6+s10] =	stream.linear.scatter @!p2 [tilespmem:s11], [sflag:$0x3], $0x9C40, $0x38;
	[tilespmem:$0x1B300] =	vst v63  }
0x11c: {  	v3 =	vld [tilespmem:s8+$0x6670]  }
0x11d: {  	v4 =	vld [tilespmem:s8+$0x8DF0];
	_ =	sdelay $0x5  }
0x11e: {  	v5 =	vld [tilespmem:s8+$0xB570]  }
0x11f: {  	v6 =	vld.idx.msk [tilespmem:v3+s1+$0x0], $0xffff  }
0x120: {  	v7 =	vld.idx.msk [tilespmem:v4+s26+$0x0], $0xffff;
	_ =	sdelay $0x2  }
0x121: {  	s16 =	simm.s32 $0x1F4  }
0x122: {  	s6 =	sand.u32 $0x7, s16  }
0x123: {  	p1 =	sne.s32 s6, $0x0;
	v5 =	vmul.f32 v5, v2;
	v6 =	vadd.f32 v7, v6  }
0x124: {  	p2 =	sle.u32 @!p1 s12, $0x42  }
0x125: {  	p1 =	por p2, p1;
	v3 =	vmul.u32 $0x2710, v3;
	v5 =	vadd.f32 v6, v5  }
0x126: {  	s6 =	simm.s32 @!p1 $0x420  }
0x127: {  	s6 =	sor.u32 @!p1 s2, s6;
	v3 =	vadd.s32 v4, v3;
	v4 =	vadd.f32 v5, v1  }
0x128: {  	s6 =	smul.u32 @!p1 $0x9C40, s6;
	[tilespmem:s8+$0xDD80] =	vst v3  }
0x129: {  	[tilespmem:s8+$0x10580] =	vst v4;
	s8 =	simm.s32 @!p1 $0x3  }
0x12a: {  	s18 =	simm.s32 $0x6E40;
	s6 =	sadd.s32 @!p1 s4, s6;
	_ =	swait.ge @!p1 [sflag:s8], $0x9C40  }
0x12b: {  	s10 =	simm.s32 @!p1 $0x11680;
	s6 =	sshrl.u32 @!p1 s6, $0x3;
	[sflag:s8] =	ssyncset.done @!p1 $0x0  }
0x12c: {  	s6 =	sadd.s32 @!p1 s7, s6;
	[sflag:s8] =	ssyncadd.s32 @!p1 $0xFFFF63C0;
	s8 =	simm.s32 @!p1 $0x0  }
0x12d: {  	[hbm4b:s6+s8] =	stream.linear.scatter @!p1 [tilespmem:s10], [sflag:$0x3], $0x9C40, $0x38;
	[tilespmem:$0x1B300] =	vst v63  }
0x12e: {  	s19 =	simm.s32 $0x95C0;
	v3 =	vld [tilespmem:s18+$0x0]  }
0x12f: {  	v4 =	vld [tilespmem:s19+$0x0];
	_ =	sdelay $0x4  }
0x130: {  	s23 =	simm.s32 $0xBD40  }
0x131: {  	v5 =	vld [tilespmem:s23+$0x0]  }
0x132: {  	v62 =	vld.idx.msk [tilespmem:v3+s1+$0x0], $0xffff  }
0x133: {  	v63 =	vld.idx.msk [tilespmem:v4+s26+$0x0], $0xffff;
	_ =	sdelay $0x2  }
0x134: {  	s24 =	simm.s32 $0x1F5  }
0x135: {  	s6 =	sand.u32 $0x7, s24  }
0x136: {  	p1 =	sne.s32 s6, $0x0;
	v5 =	vmul.f32 v5, v2;
	v6 =	vadd.f32 v63, v62  }
0x137: {  	s15 =	simm.s32 $0x1F6;
	p2 =	sle.u32 @!p1 s12, $0x42;
	v3 =	vmul.u32 $0x2710, v3  }
0x138: {  	s14 =	simm.s32 $0x6E50;
	s9 =	simm.s32 $0x95D0;
	p2 =	por p2, p1;
	v5 =	vadd.f32 v6, v5  }
0x139: {  	s11 =	simm.s32 $0x10D80;
	s6 =	simm.s32 $0xE580;
	s8 =	simm.s32 @!p2 $0x420;
	v3 =	vadd.s32 v4, v3  }
0x13a: {  	s10 =	simm.s32 $0xBD50;
	s16 =	sor.u32 @!p2 s2, s8;
	s8 =	simm.s32 $0x10D90;
	[tilespmem:s6+$0x0] =	vst v3;
	v3 =	vadd.f32 v5, v1  }
.LBB2_19:
0x13b: {  	s16 =	smul.u32 @!p2 $0x9C40, s16  }
0x13c: {  	s6 =	sadd.s32 $0x10, s6;
	s18 =	smov.u32 s15;
	s15 =	sadd.s32 $0x1, s15  }
0x13d: {  	s19 =	simm.s32 @!p2 $0x3;
	p1 =	sne.s32 s15, $0x271;
	[tilespmem:s11+$0x0] =	vst v3;
	s11 =	smov.u32 s8  }
0x13e: {  	_ =	swait.ge @!p2 [sflag:s19], $0x9C40;
	s16 =	sadd.s32 @!p2 s4, s16  }
0x13f: {  	s23 =	simm.s32 @!p2 $0x11680;
	[sflag:s19] =	ssyncset.done @!p2 $0x0;
	s16 =	sshrl.u32 @!p2 s16, $0x3  }
0x140: {  	[sflag:s19] =	ssyncadd.s32 @!p2 $0xFFFF63C0;
	s16 =	sadd.s32 @!p2 s7, s16;
	s19 =	simm.s32 @!p2 $0x0  }
0x141: {  	[hbm4b:s16+s19] =	stream.linear.scatter @!p2 [tilespmem:s23], [sflag:$0x3], $0x9C40, $0x38;
	[tilespmem:$0x1B300] =	vst v63  }
0x142: {  	v3 =	vld [tilespmem:s14+$0x0]  }
0x143: {  	v4 =	vld [tilespmem:s9+$0x0]  }
0x144: {  	v5 =	vld [tilespmem:s10+$0x0];
	_ =	sdelay $0x2  }
0x145: {  	v6 =	vmul.u32 $0x2710, v3;
	_ =	sdelay $0x1  }
0x146: {  	v6 =	vadd.s32 v4, v6  }
0x147: {  	v3 =	vld.idx.msk [tilespmem:v3+s1+$0x0], $0xffff  }
0x148: {  	v4 =	vld.idx.msk [tilespmem:v4+s26+$0x0], $0xffff  }
0x149: {  	[tilespmem:s6+$0x0] =	vst v6;
	_ =	sdelay $0x1  }
0x14a: {  	s16 =	sand.u32 $0x7, s18  }
0x14b: {  	p2 =	sne.s32 s16, $0x0  }
0x14c: {  	s16 =	sshrl.u32 @!p2 s18, $0x3;
	v5 =	vmul.f32 v5, v2  }
.Ltmp9:
0x14d: {  	s16 =	sadd.s32 @!p2 $0x4, s16;
	v3 =	vadd.f32 v4, v3;
	(pc) =	sbr.rel @p1 .LBB2_19-.Ltmp9, $4  }
0x14e: {  	p3 =	sge.u32 @!p2 s16, s12  }
0x14f: {  	p2 =	por p3, p2;
	v3 =	vadd.f32 v3, v5  }
0x150: {  	s9 =	sadd.s32 $0x10, s9;
	s10 =	sadd.s32 $0x10, s10;
	s16 =	sshll.u32 @!p2 s16, $0x4  }
0x151: {  	s8 =	sadd.s32 $0x10, s8;
	s14 =	sadd.s32 $0x10, s14;
	s16 =	sor.u32 @!p2 s2, s16;
	v3 =	vadd.f32 v3, v1  }
0x152: {  	s15 =	smul.u32 @!p2 $0x9C40, s16  }
0x153: {  	s16 =	simm.s32 @!p2 $0x3;
	[tilespmem:s11+$0x0] =	vst v3  }
0x154: {  	_ =	swait.ge @!p2 [sflag:s16], $0x9C40;
	s11 =	sadd.s32 @!p2 s4, s15  }
0x155: {  	s15 =	simm.s32 @!p2 $0x11680;
	[sflag:s16] =	ssyncset.done @!p2 $0x0;
	s11 =	sshrl.u32 @!p2 s11, $0x3  }
0x156: {  	[sflag:s16] =	ssyncadd.s32 @!p2 $0xFFFF63C0;
	s11 =	sadd.s32 @!p2 s7, s11;
	s16 =	simm.s32 @!p2 $0x0  }
0x157: {  	[hbm4b:s11+s16] =	stream.linear.scatter @!p2 [tilespmem:s15], [sflag:$0x3], $0x9C40, $0x38;
	[tilespmem:$0x1B300] =	vst v63  }
0x158: {  	v3 =	vld [tilespmem:s14+$0x0]  }
0x159: {  	v4 =	vld [tilespmem:s9+$0x0];
	_ =	sdelay $0x5  }
0x15a: {  	v5 =	vld [tilespmem:s10+$0x0]  }
0x15b: {  	v6 =	vld.idx.msk [tilespmem:v3+s1+$0x0], $0xffff  }
0x15c: {  	v7 =	vld.idx.msk [tilespmem:v4+s26+$0x0], $0xffff;
	_ =	sdelay $0x4  }
0x15d: {  	v2 =	vmul.f32 v5, v2;
	v63 =	vadd.f32 v7, v6;
	_ =	sdelay $0x1  }
0x15e: {  	v3 =	vmul.u32 $0x2710, v3;
	v2 =	vadd.f32 v63, v2;
	_ =	sdelay $0x1  }
0x15f: {  	s6 =	sadd.s32 $0x10, s6;
	v3 =	vadd.s32 v4, v3;
	v1 =	vadd.f32 v2, v1  }
0x160: {  	[tilespmem:s6+$0x0] =	vst v3  }
0x161: {  	[tilespmem:s8+$0x0] =	vst v1  }
0x162: {  	_ =	swait.ge [sflag:s31], $0x9C40  }
0x163: {  	[sflag:s31] =	ssyncset.done $0x0  }
0x164: {  	[sflag:s31] =	ssyncadd.s32 $0xFFFF63C0  }
0x165: {  	_ =	swait.ge [sflag:s31], $0x9C40  }
0x166: {  	[sflag:s31] =	ssyncset.done $0x0  }
0x167: {  	[sflag:s31] =	ssyncadd.s32 $0xFFFF63C0  }
0x168: {  	_ =	swait.ge [sflag:s31], $0x9C40  }
0x169: {  	[sflag:s31] =	ssyncset.done $0x0  }
0x16a: {  	[sflag:s31] =	ssyncadd.s32 $0xFFFF63C0  }
0x16b: {  	_ =	swait.ge [sflag:s31], $0x9C40  }
0x16c: {  	[sflag:s31] =	ssyncset.done $0x0  }
0x16d: {  	[sflag:s31] =	ssyncadd.s32 $0xFFFF63C0  }
0x16e: {  	s6 =	simm.s32 @!p0 $0x100000;
	[bflag:$0x0] =	sbarrier.arrive $0xFFFF  }
0x16f: {  	[smem:s6], [sflag:$0x0] =	smem.add.s32 @!p0 $0x0;
	s6 =	simm.s32 @!p0 $0x0  }
0x170: {  	_ =	swait.done @!p0 [sflag:s6]  }
0x171: {  	s8 =	ssyncread @!p0 [sflag:$0x0];
	_ =	sdelay $0x1  }
0x172: {  	s9 =	rddreg [dreg:$0xf]  }
0x173: {  	s8 =	sadd.s32 @!p0 s9, s8  }
0x174: {  	s8 =	sshll.u32 @!p0 s8, $0x11  }
0x175: {  	[sflag:s6] =	ssyncset.s32 @!p0 $0x0;
	s8 =	sor.u32 @!p0 s8, s25  }
0x176: {  	[sflag:s6] =	ssyncset.done @!p0 $0x0;
	s6 =	sor.u32 @!p0 $0x1C05, s8  }
0x177: {  	[sflag:s6] =	ssyncadd.remote.s32 @!p0 $0x1;
	s6 =	simm.s32 @!p0 $0x5  }
0x178: {  	_ =	swait.ge @!p0 [sflag:s6], $0x1  }
0x179: {  	[sflag:s6] =	ssyncset.done @!p0 $0x0  }
0x17a: {  	[sflag:s6] =	ssyncadd.s32 @!p0 $0xFFFFFFFF  }
0x17b: {  	s9 =	simm.s32 $0xED80;
	s8 =	simm.s32 $0xC580;
	[bflag:$0x0] =	sbarrier.arrive $0xFFFF  }
0x17c: {  	[hbm4b:s7+s0] =	stream.indirect.scatter [tilespmem:s9], [sflag:$0x4], $0x1, s8, s0, $0xb8;
	[tilespmem:$0x1B300] =	vst v63  }
0x17d: {  	s11 =	simm.s32 $0xF580;
	s10 =	simm.s32 $0xCD80  }
0x17e: {  	[hbm4b:s7+s0] =	stream.indirect.scatter [tilespmem:s11], [sflag:$0x4], $0x1, s10, s0, $0xb8;
	[tilespmem:$0x1B300] =	vst v63  }
0x17f: {  	s15 =	simm.s32 $0xFD80;
	s14 =	simm.s32 $0xD580  }
0x180: {  	[hbm4b:s7+s0] =	stream.indirect.scatter [tilespmem:s15], [sflag:$0x4], $0x1, s14, s0, $0xb8;
	[tilespmem:$0x1B300] =	vst v63  }
0x181: {  	s18 =	simm.s32 $0x10580;
	s16 =	simm.s32 $0xDD80  }
0x182: {  	[hbm4b:s7+s0] =	stream.indirect.scatter [tilespmem:s18], [sflag:$0x4], $0x1, s16, s0, $0xb8;
	[tilespmem:$0x1B300] =	vst v63  }
0x183: {  	s19 =	simm.s32 $0xE580;
	s23 =	simm.s32 $0x10D80  }
0x184: {  	[hbm4b:s7+s0] =	stream.indirect.scatter [tilespmem:s23], [sflag:$0x4], $0x1, s19, s0, $0xb8;
	[tilespmem:$0x1B300] =	vst v63  }
0x185: {  	_ =	swait.ge [sflag:s3], $0x7D0  }
0x186: {  	[sflag:s3] =	ssyncset.done $0x0  }
0x187: {  	[sflag:s3] =	ssyncadd.s32 $0xFFFFF830  }
0x188: {  	_ =	swait.ge [sflag:s3], $0x7D0  }
0x189: {  	[sflag:s3] =	ssyncset.done $0x0  }
0x18a: {  	[sflag:s3] =	ssyncadd.s32 $0xFFFFF830  }
0x18b: {  	_ =	swait.ge [sflag:s3], $0x7D0  }
0x18c: {  	[sflag:s3] =	ssyncset.done $0x0  }
0x18d: {  	[sflag:s3] =	ssyncadd.s32 $0xFFFFF830  }
0x18e: {  	_ =	swait.ge [sflag:s3], $0x7D0  }
0x18f: {  	[sflag:s3] =	ssyncset.done $0x0  }
0x190: {  	[sflag:s3] =	ssyncadd.s32 $0xFFFFF830  }
0x191: {  	_ =	swait.ge [sflag:s3], $0x7D0  }
0x192: {  	s5 =	sadd.s32 $0x1, s5;
	s24 =	rddreg [dreg:$0x10]  }
0x193: {  	p1 =	sne.s32 s5, s24  }
.Ltmp10:
0x194: {  	_ = 	snop;
	(pc) =	sbr.rel @p1 .LBB2_1-.Ltmp10, $4  }
.Ltmp11:
0x195: {  	_ = 	snop;
	(pc) =	sbr.rel @!p1 .LBB2_21-.Ltmp11, $4  }
0x196: {  	_ = 	snop  }
0x197: {  	[sflag:s3] =	ssyncset.done $0x0  }
0x198: {  	[sflag:s3] =	ssyncadd.s32 $0xFFFFF830  }
0x199: {  	_ = 	snop  }
.LBB2_8:
.Ltmp12:
0x19a: {  	(pc) =	sbr.rel .LBB2_12-.Ltmp12, $2  }
0x19b: {  	_ =	sdelay $0x2  }
0x19c: {  	s10 =	smov.u32 s21;
	s11 =	simm.s32 $0x0;
	p3 =	por $0x0, $0x0  }
.LBB2_13:
.Ltmp13:
0x19d: {  	(pc) =	sbr.rel .LBB2_18-.Ltmp13, $2  }
0x19e: {  	_ =	sdelay $0x2  }
0x19f: {  	s10 =	smov.u32 s22  }
.LBB2_10:
.Ltmp14:
0x1a0: {  	(pc) =	sbr.rel .LBB2_12-.Ltmp14, $2  }
0x1a1: {  	_ =	sdelay $0x2  }
0x1a2: {  	s10 =	smov.u32 s21;
	s11 =	simm.s32 $0x40  }
.LBB2_15:
.Ltmp15:
0x1a3: {  	(pc) =	sbr.rel .LBB2_18-.Ltmp15, $2  }
0x1a4: {  	_ =	sdelay $0x2  }
0x1a5: {  	s10 =	smov.u32 s22;
	s8 =	simm.s32 $0x40  }
.LBB2_21:
0x1a6: {  	_ =	sfence.sel $0x180000  }
0x1a7: {  	[bflag:$0x0] =	sbarrier.arrive $0xFFFF  }
0x1a8: {  	_ =	strace $0x90000047  }
0x1a9: {  	[bflag:$0x2] =	sbarrier.arrive $0xFFFF  }
0x1aa: {  	s0 =	rddreg [dreg:$0x4]  }
0x1ab: {  	s0 =	sadd.s32 @!p0 $0x100000, s0  }
0x1ac: {  	[sflag:s0] =	ssyncadd.tile.s32 @!p0 $0x1;
	_ =	shalt  }
.Lfunc_end2:
_tile_overlayer_lowered:
.L_overlay_start_2:
0x1ad: {  	(tag) =	ssettag $0x2  }
0x1ae: {  	s0 =	rddreg [dreg:$0x0];
	s2 =	stileid.u32  }
0x1af: {  	s1 =	rddreg [dreg:$0x1];
	p0 =	sne.s32 s2, $0x0  }
0x1b0: {  	s3 =	rddreg [dreg:$0x2];
	[bflag:$0x3] =	sbarrier.arrive $0xFFFF;
	s2 =	simm.s32 @!p0 $0x1C06  }
0x1b1: {  	[timem:s3], [sflag:s2] =	dma.local @!p0 [hbm:s0], s1  }
0x1b2: {  	s0 =	simm.s32 @!p0 $0x6  }
0x1b3: {  	_ =	swait.ge @!p0 [sflag:s0], s1  }
0x1b4: {  	s1 =	ssub.s32 @!p0 $0x0, s1;
	[sflag:s0] =	ssyncset.done @!p0 $0x0  }
0x1b5: {  	[sflag:s0] =	ssyncadd.s32 @!p0 s1  }
0x1b6: {  	[bflag:$0x3] =	sbarrier.arrive $0xFFFF  }
0x1b7: {  	_ =	shalt  }

</sc_bundles>
